<compile_context>
chip_gen: v7x
topology: tpu7x:2x2x1
jax: 0.10.2.dev20260603
libtpu: 0.0.44.dev20260713+nightly
codegen_flags: <defaults>
</compile_context>

<pallas_src>
import functools

import jax
import jax.numpy as jnp
from jax import lax
from jax.experimental import pallas as pl
from jax.experimental.pallas import tpu as pltpu
from jax.experimental.pallas import tpu_sc as plsc

_LAMBDA_L2 = 1.0
_N = 128 * 1 * 192 * 84
_BATCH = 128
_NW = 32
_PER_W = _N // _NW
_CHUNK = 16128
_NCHUNK = _PER_W // _CHUNK
_VECS = _CHUNK // 16
_NBINS = 256
_HIST = 16 * _NBINS

_mesh = plsc.VectorSubcoreMesh(core_axis_name="c", subcore_axis_name="s")


@functools.partial(
    pl.kernel,
    mesh=_mesh,
    out_type=jax.ShapeDtypeStruct((_NW, 2, _HIST), jnp.float32),
    scratch_types=[
        pltpu.VMEM((_CHUNK,), jnp.float32),
        pltpu.VMEM((_CHUNK,), jnp.float32),
        pltpu.VMEM((_HIST,), jnp.float32),
        pltpu.VMEM((_HIST,), jnp.float32),
    ],
    compiler_params=pltpu.CompilerParams(needs_layout_passes=False),
)
def _sc_bin_pass(src_hbm, tar_hbm, out_hbm, sbuf, tbuf, hsum, hcnt):
    wid = lax.axis_index("s") * 2 + lax.axis_index("c")
    base = wid * _PER_W
    zeros = jnp.zeros((16,), jnp.float32)
    ones = jnp.ones((16,), jnp.float32)
    lane_off = lax.iota(jnp.int32, 16) * _NBINS

    @plsc.parallel_loop(0, _HIST // 16, unroll=4)
    def zero_body(i):
        hsum[pl.ds(i * 16, 16)] = zeros
        hcnt[pl.ds(i * 16, 16)] = zeros

    for j in range(_NCHUNK):
        off = base + j * _CHUNK
        pltpu.sync_copy(src_hbm.at[pl.ds(off, _CHUNK)], sbuf)
        pltpu.sync_copy(tar_hbm.at[pl.ds(off, _CHUNK)], tbuf)

        @plsc.parallel_loop(0, _VECS, unroll=8)
        def body(i):
            t = tbuf[pl.ds(i * 16, 16)]
            s = sbuf[pl.ds(i * 16, 16)]
            d = (s - t) * (s - t)
            b = t.astype(jnp.int32) + lane_off
            plsc.addupdate_scatter(hsum, [b], d)
            plsc.addupdate_scatter(hcnt, [b], ones)

    pltpu.sync_copy(hsum, out_hbm.at[wid, 0])
    pltpu.sync_copy(hcnt, out_hbm.at[wid, 1])


def _tc_epilogue(s_ref, c_ref, o_ref):
    sums = jnp.sum(s_ref[...], axis=0, keepdims=True)
    counts = jnp.sum(c_ref[...], axis=0, keepdims=True)
    p_y = counts * (1.0 / (float(_N) * float(_BATCH)))
    w = 1.0 / (p_y + 1e-12)
    w = w / jnp.sum(w)
    loss = jnp.sum(w * sums) * _LAMBDA_L2
    o_ref[...] = jnp.reshape(loss, (1, 1))


def kernel(src, tar):
    s = src.reshape(-1)
    t = tar.reshape(-1)
    parts = _sc_bin_pass(s, t)
    s_in = parts[:, 0, :].reshape(_NW * 16, _NBINS)
    c_in = parts[:, 1, :].reshape(_NW * 16, _NBINS)
    loss = pl.pallas_call(
        _tc_epilogue,
        out_shape=jax.ShapeDtypeStruct((1, 1), jnp.float32),
    )(s_in, c_in)
    return loss[0, 0]

# --- scband reference (transcript-rebuilt; emitter-appended) ---
"""Pipeline reference for scband-pwrswt-l-12025908428860 (READ-ONLY COPY).

The authoritative reference and input builder live on the scoring server;
editing this copy changes nothing except your own understanding.
"""

import jax, jax.numpy as jnp
import numpy as np

LAMBDA_L2 = 1.0

def setup_inputs(seed: int = 0) -> dict:
    key = jax.random.key(seed)
    k1, k2 = jax.random.split(key)
    src = jax.random.normal(k1, (128, 1, 192, 84), dtype=jnp.float32)
    tar = jax.random.randint(k2, (128, 1, 192, 84), 0, 256).astype(jnp.float32)
    return {"src": src, "tar": tar}

def reference(src, tar):
    batch_size = tar.shape[0]
    # torch.histc(tar, bins=256, min=0, max=255) on integer-valued pixels == bincount
    tar_int = jax.lax.stop_gradient(tar).astype(jnp.int32)
    counts = jnp.bincount(tar_int.reshape(-1), length=256).astype(jnp.float32)
    p_y = counts / (tar.size * batch_size)
    weight = 1.0 / (p_y + 1e-12)
    weight = weight / weight.sum()
    # the python loop `mask_tensor[tar == pixel_value] = probability` is exactly a gather
    mask_tensor = jnp.take(weight, tar_int, axis=0)
    diff_sq = (src - tar) ** 2
    loss = (LAMBDA_L2 * mask_tensor * diff_sq).sum()
    return loss

if __name__ == "__main__":
    import jax
    _d = setup_inputs()
    print(jax.jit(kernel)(*tuple(_d.values())))

</pallas_src>

<mosaic_0001>
#map = affine_map<(d0, d1) -> (0)>
#map1 = affine_map<(d0, d1) -> (0, 0, 0)>
module attributes {stable_mosaic.version = 14 : i64} {
  func.func @_sc_bin_pass(%arg0: i32, %arg1: i32, %arg2: memref<2064384xf32, #tpu.memory_space<hbm>>, %arg3: memref<2064384xf32, #tpu.memory_space<hbm>>, %arg4: memref<32x2x4096xf32, #tpu.memory_space<hbm>>, %arg5: memref<16128xf32, #tpu.memory_space<vmem>>, %arg6: memref<16128xf32, #tpu.memory_space<vmem>>, %arg7: memref<4096xf32, #tpu.memory_space<vmem>>, %arg8: memref<4096xf32, #tpu.memory_space<vmem>>) attributes {dimension_semantics = [#tpu.dimension_semantics<core_parallel>, #tpu.dimension_semantics<subcore_parallel>], iteration_bounds = array<i64: 2, 16>, scalar_prefetch = 0 : i64, scratch_operands = 4 : i64, tpu.core_type = #tpu.core_type<sc_vector_subcore>, window_params = [{transform_indices = #map}, {transform_indices = #map}, {transform_indices = #map1}]} {
    %mul3A = arith.constant 2 : i32
    %mul3A_0 = arith.muli %arg1, %mul3A : i32
    %add3A = arith.addi %mul3A_0, %arg0 : i32
    %mul3A_1 = arith.constant 64512 : i32
    %mul3A_2 = arith.muli %add3A, %mul3A_1 : i32
    %broadcast_in_dim3A = arith.constant 0.000000e+00 : f32
    %broadcast_in_dim3A_3 = vector.broadcast %broadcast_in_dim3A : f32 to vector<16xf32>
    %broadcast_in_dim3A_4 = arith.constant 1.000000e+00 : f32
    %broadcast_in_dim3A_5 = vector.broadcast %broadcast_in_dim3A_4 : f32 to vector<16xf32>
    %iota3A = tpu.iota {dimensions = array<i32: 0>} : vector<16xi32>
    %mul3A_6 = arith.constant 256 : i32
    %mul3A_7 = vector.broadcast %mul3A_6 : i32 to vector<16xi32>
    %mul3A_8 = arith.muli %iota3A, %mul3A_7 : vector<16xi32>
    %parallel_loop3A = arith.constant 0 : i32
    %parallel_loop3A_9 = arith.constant 256 : i32
    %parallel_loop3A_10 = arith.constant 1 : i32
    scf.for %parallel_loop3A_32 = %parallel_loop3A to %parallel_loop3A_9 step %parallel_loop3A_10  : i32 {
      %parallel_loop3A_33 = arith.constant 16 : i32
      %parallel_loop3A_34 = arith.muli %parallel_loop3A_32, %parallel_loop3A_33 : i32
      %parallel_loop3A_35 = arith.index_cast %parallel_loop3A_34 : i32 to index
      %parallel_loop3A_36 = tpu.vector_load %arg7[%parallel_loop3A_35] {strides = array<i32>} : memref<4096xf32, #tpu.memory_space<vmem>>, vector<16xf32>,
      tpu.vector_store %arg7[%parallel_loop3A_35], %broadcast_in_dim3A_3 {strides = array<i32>} : memref<4096xf32, #tpu.memory_space<vmem>>, vector<16xf32>,
      %parallel_loop3A_37 = arith.constant 16 : i32
      %parallel_loop3A_38 = arith.muli %parallel_loop3A_32, %parallel_loop3A_37 : i32
      %parallel_loop3A_39 = arith.index_cast %parallel_loop3A_38 : i32 to index
      %parallel_loop3A_40 = tpu.vector_load %arg8[%parallel_loop3A_39] {strides = array<i32>} : memref<4096xf32, #tpu.memory_space<vmem>>, vector<16xf32>,
      tpu.vector_store %arg8[%parallel_loop3A_39], %broadcast_in_dim3A_3 {strides = array<i32>} : memref<4096xf32, #tpu.memory_space<vmem>>, vector<16xf32>,
    } {sc.loop_unroll_factor = 4 : i64, sc.parallel_access}
    %add3A_11 = arith.constant 0 : i32
    %add3A_12 = arith.addi %mul3A_2, %add3A_11 : i32
    "tpu.region"() ({
      %run_scoped3A_32 = tpu.sem_alloc : memref<!tpu.dma_semaphore, #tpu.memory_space<semaphore_mem>>
      %dma_start3A = tpu.memref_slice %arg2[%add3A_12] : memref<2064384xf32, #tpu.memory_space<hbm>> -> memref<16128xf32, #tpu.memory_space<hbm>>
      %dma_start3A_33 = tpu.memref_slice %arg2[%add3A_12] : memref<2064384xf32, #tpu.memory_space<hbm>> -> memref<16128xf32, #tpu.memory_space<hbm>>
      tpu.enqueue_dma source(%dma_start3A_33 : memref<16128xf32, #tpu.memory_space<hbm>>) target(%arg5 : memref<16128xf32, #tpu.memory_space<vmem>>) target_semaphore(%run_scoped3A_32 : memref<!tpu.dma_semaphore, #tpu.memory_space<semaphore_mem>>)
      %dma_wait3A = tpu.memref_slice %arg2[%add3A_12] : memref<2064384xf32, #tpu.memory_space<hbm>> -> memref<16128xf32, #tpu.memory_space<hbm>>
      %dma_wait3A_34 = tpu.memref_slice %arg2[%add3A_12] : memref<2064384xf32, #tpu.memory_space<hbm>> -> memref<16128xf32, #tpu.memory_space<hbm>>
      tpu.wait_dma2 semaphore(%run_scoped3A_32 : memref<!tpu.dma_semaphore, #tpu.memory_space<semaphore_mem>>) src(%dma_wait3A_34 : memref<16128xf32, #tpu.memory_space<hbm>>) dst(%arg5 : memref<16128xf32, #tpu.memory_space<vmem>>)
      tpu.yield
    }) : () -> ()
    "tpu.region"() ({
      %run_scoped3A_32 = tpu.sem_alloc : memref<!tpu.dma_semaphore, #tpu.memory_space<semaphore_mem>>
      %dma_start3A = tpu.memref_slice %arg3[%add3A_12] : memref<2064384xf32, #tpu.memory_space<hbm>> -> memref<16128xf32, #tpu.memory_space<hbm>>
      %dma_start3A_33 = tpu.memref_slice %arg3[%add3A_12] : memref<2064384xf32, #tpu.memory_space<hbm>> -> memref<16128xf32, #tpu.memory_space<hbm>>
      tpu.enqueue_dma source(%dma_start3A_33 : memref<16128xf32, #tpu.memory_space<hbm>>) target(%arg6 : memref<16128xf32, #tpu.memory_space<vmem>>) target_semaphore(%run_scoped3A_32 : memref<!tpu.dma_semaphore, #tpu.memory_space<semaphore_mem>>)
      %dma_wait3A = tpu.memref_slice %arg3[%add3A_12] : memref<2064384xf32, #tpu.memory_space<hbm>> -> memref<16128xf32, #tpu.memory_space<hbm>>
      %dma_wait3A_34 = tpu.memref_slice %arg3[%add3A_12] : memref<2064384xf32, #tpu.memory_space<hbm>> -> memref<16128xf32, #tpu.memory_space<hbm>>
      tpu.wait_dma2 semaphore(%run_scoped3A_32 : memref<!tpu.dma_semaphore, #tpu.memory_space<semaphore_mem>>) src(%dma_wait3A_34 : memref<16128xf32, #tpu.memory_space<hbm>>) dst(%arg6 : memref<16128xf32, #tpu.memory_space<vmem>>)
      tpu.yield
    }) : () -> ()
    %parallel_loop3A_13 = arith.constant 0 : i32
    %parallel_loop3A_14 = arith.constant 1008 : i32
    %parallel_loop3A_15 = arith.constant 1 : i32
    scf.for %parallel_loop3A_32 = %parallel_loop3A_13 to %parallel_loop3A_14 step %parallel_loop3A_15  : i32 {
      %parallel_loop3A_33 = arith.constant 16 : i32
      %parallel_loop3A_34 = arith.muli %parallel_loop3A_32, %parallel_loop3A_33 : i32
      %parallel_loop3A_35 = arith.index_cast %parallel_loop3A_34 : i32 to index
      %parallel_loop3A_36 = tpu.vector_load %arg6[%parallel_loop3A_35] {strides = array<i32>} : memref<16128xf32, #tpu.memory_space<vmem>>, vector<16xf32>,
      %parallel_loop3A_37 = arith.constant 16 : i32
      %parallel_loop3A_38 = arith.muli %parallel_loop3A_32, %parallel_loop3A_37 : i32
      %parallel_loop3A_39 = arith.index_cast %parallel_loop3A_38 : i32 to index
      %parallel_loop3A_40 = tpu.vector_load %arg5[%parallel_loop3A_39] {strides = array<i32>} : memref<16128xf32, #tpu.memory_space<vmem>>, vector<16xf32>,
      %parallel_loop3A_41 = arith.subf %parallel_loop3A_40, %parallel_loop3A_36 : vector<16xf32>
      %parallel_loop3A_42 = arith.subf %parallel_loop3A_40, %parallel_loop3A_36 : vector<16xf32>
      %parallel_loop3A_43 = arith.mulf %parallel_loop3A_41, %parallel_loop3A_42 : vector<16xf32>
      %parallel_loop3A_44 = arith.fptosi %parallel_loop3A_36 : vector<16xf32> to vector<16xi32>
      %parallel_loop3A_45 = arith.addi %parallel_loop3A_44, %mul3A_8 : vector<16xi32>
      tpu.vector_store_idx %arg7[%parallel_loop3A_45], %parallel_loop3A_43 {add = true} : memref<4096xf32, #tpu.memory_space<vmem>>[vector<16xi32>], vector<16xf32>,
      tpu.vector_store_idx %arg8[%parallel_loop3A_45], %broadcast_in_dim3A_5 {add = true} : memref<4096xf32, #tpu.memory_space<vmem>>[vector<16xi32>], vector<16xf32>,
    } {sc.loop_unroll_factor = 8 : i64, sc.parallel_access}
    %add3A_16 = arith.constant 16128 : i32
    %add3A_17 = arith.addi %mul3A_2, %add3A_16 : i32
    "tpu.region"() ({
      %run_scoped3A_32 = tpu.sem_alloc : memref<!tpu.dma_semaphore, #tpu.memory_space<semaphore_mem>>
      %dma_start3A = tpu.memref_slice %arg2[%add3A_17] : memref<2064384xf32, #tpu.memory_space<hbm>> -> memref<16128xf32, #tpu.memory_space<hbm>>
      %dma_start3A_33 = tpu.memref_slice %arg2[%add3A_17] : memref<2064384xf32, #tpu.memory_space<hbm>> -> memref<16128xf32, #tpu.memory_space<hbm>>
      tpu.enqueue_dma source(%dma_start3A_33 : memref<16128xf32, #tpu.memory_space<hbm>>) target(%arg5 : memref<16128xf32, #tpu.memory_space<vmem>>) target_semaphore(%run_scoped3A_32 : memref<!tpu.dma_semaphore, #tpu.memory_space<semaphore_mem>>)
      %dma_wait3A = tpu.memref_slice %arg2[%add3A_17] : memref<2064384xf32, #tpu.memory_space<hbm>> -> memref<16128xf32, #tpu.memory_space<hbm>>
      %dma_wait3A_34 = tpu.memref_slice %arg2[%add3A_17] : memref<2064384xf32, #tpu.memory_space<hbm>> -> memref<16128xf32, #tpu.memory_space<hbm>>
      tpu.wait_dma2 semaphore(%run_scoped3A_32 : memref<!tpu.dma_semaphore, #tpu.memory_space<semaphore_mem>>) src(%dma_wait3A_34 : memref<16128xf32, #tpu.memory_space<hbm>>) dst(%arg5 : memref<16128xf32, #tpu.memory_space<vmem>>)
      tpu.yield
    }) : () -> ()
    "tpu.region"() ({
      %run_scoped3A_32 = tpu.sem_alloc : memref<!tpu.dma_semaphore, #tpu.memory_space<semaphore_mem>>
      %dma_start3A = tpu.memref_slice %arg3[%add3A_17] : memref<2064384xf32, #tpu.memory_space<hbm>> -> memref<16128xf32, #tpu.memory_space<hbm>>
      %dma_start3A_33 = tpu.memref_slice %arg3[%add3A_17] : memref<2064384xf32, #tpu.memory_space<hbm>> -> memref<16128xf32, #tpu.memory_space<hbm>>
      tpu.enqueue_dma source(%dma_start3A_33 : memref<16128xf32, #tpu.memory_space<hbm>>) target(%arg6 : memref<16128xf32, #tpu.memory_space<vmem>>) target_semaphore(%run_scoped3A_32 : memref<!tpu.dma_semaphore, #tpu.memory_space<semaphore_mem>>)
      %dma_wait3A = tpu.memref_slice %arg3[%add3A_17] : memref<2064384xf32, #tpu.memory_space<hbm>> -> memref<16128xf32, #tpu.memory_space<hbm>>
      %dma_wait3A_34 = tpu.memref_slice %arg3[%add3A_17] : memref<2064384xf32, #tpu.memory_space<hbm>> -> memref<16128xf32, #tpu.memory_space<hbm>>
      tpu.wait_dma2 semaphore(%run_scoped3A_32 : memref<!tpu.dma_semaphore, #tpu.memory_space<semaphore_mem>>) src(%dma_wait3A_34 : memref<16128xf32, #tpu.memory_space<hbm>>) dst(%arg6 : memref<16128xf32, #tpu.memory_space<vmem>>)
      tpu.yield
    }) : () -> ()
    %parallel_loop3A_18 = arith.constant 0 : i32
    %parallel_loop3A_19 = arith.constant 1008 : i32
    %parallel_loop3A_20 = arith.constant 1 : i32
    scf.for %parallel_loop3A_32 = %parallel_loop3A_18 to %parallel_loop3A_19 step %parallel_loop3A_20  : i32 {
      %parallel_loop3A_33 = arith.constant 16 : i32
      %parallel_loop3A_34 = arith.muli %parallel_loop3A_32, %parallel_loop3A_33 : i32
      %parallel_loop3A_35 = arith.index_cast %parallel_loop3A_34 : i32 to index
      %parallel_loop3A_36 = tpu.vector_load %arg6[%parallel_loop3A_35] {strides = array<i32>} : memref<16128xf32, #tpu.memory_space<vmem>>, vector<16xf32>,
      %parallel_loop3A_37 = arith.constant 16 : i32
      %parallel_loop3A_38 = arith.muli %parallel_loop3A_32, %parallel_loop3A_37 : i32
      %parallel_loop3A_39 = arith.index_cast %parallel_loop3A_38 : i32 to index
      %parallel_loop3A_40 = tpu.vector_load %arg5[%parallel_loop3A_39] {strides = array<i32>} : memref<16128xf32, #tpu.memory_space<vmem>>, vector<16xf32>,
      %parallel_loop3A_41 = arith.subf %parallel_loop3A_40, %parallel_loop3A_36 : vector<16xf32>
      %parallel_loop3A_42 = arith.subf %parallel_loop3A_40, %parallel_loop3A_36 : vector<16xf32>
      %parallel_loop3A_43 = arith.mulf %parallel_loop3A_41, %parallel_loop3A_42 : vector<16xf32>
      %parallel_loop3A_44 = arith.fptosi %parallel_loop3A_36 : vector<16xf32> to vector<16xi32>
      %parallel_loop3A_45 = arith.addi %parallel_loop3A_44, %mul3A_8 : vector<16xi32>
      tpu.vector_store_idx %arg7[%parallel_loop3A_45], %parallel_loop3A_43 {add = true} : memref<4096xf32, #tpu.memory_space<vmem>>[vector<16xi32>], vector<16xf32>,
      tpu.vector_store_idx %arg8[%parallel_loop3A_45], %broadcast_in_dim3A_5 {add = true} : memref<4096xf32, #tpu.memory_space<vmem>>[vector<16xi32>], vector<16xf32>,
    } {sc.loop_unroll_factor = 8 : i64, sc.parallel_access}
    %add3A_21 = arith.constant 32256 : i32
    %add3A_22 = arith.addi %mul3A_2, %add3A_21 : i32
    "tpu.region"() ({
      %run_scoped3A_32 = tpu.sem_alloc : memref<!tpu.dma_semaphore, #tpu.memory_space<semaphore_mem>>
      %dma_start3A = tpu.memref_slice %arg2[%add3A_22] : memref<2064384xf32, #tpu.memory_space<hbm>> -> memref<16128xf32, #tpu.memory_space<hbm>>
      %dma_start3A_33 = tpu.memref_slice %arg2[%add3A_22] : memref<2064384xf32, #tpu.memory_space<hbm>> -> memref<16128xf32, #tpu.memory_space<hbm>>
      tpu.enqueue_dma source(%dma_start3A_33 : memref<16128xf32, #tpu.memory_space<hbm>>) target(%arg5 : memref<16128xf32, #tpu.memory_space<vmem>>) target_semaphore(%run_scoped3A_32 : memref<!tpu.dma_semaphore, #tpu.memory_space<semaphore_mem>>)
      %dma_wait3A = tpu.memref_slice %arg2[%add3A_22] : memref<2064384xf32, #tpu.memory_space<hbm>> -> memref<16128xf32, #tpu.memory_space<hbm>>
      %dma_wait3A_34 = tpu.memref_slice %arg2[%add3A_22] : memref<2064384xf32, #tpu.memory_space<hbm>> -> memref<16128xf32, #tpu.memory_space<hbm>>
      tpu.wait_dma2 semaphore(%run_scoped3A_32 : memref<!tpu.dma_semaphore, #tpu.memory_space<semaphore_mem>>) src(%dma_wait3A_34 : memref<16128xf32, #tpu.memory_space<hbm>>) dst(%arg5 : memref<16128xf32, #tpu.memory_space<vmem>>)
      tpu.yield
    }) : () -> ()
    "tpu.region"() ({
      %run_scoped3A_32 = tpu.sem_alloc : memref<!tpu.dma_semaphore, #tpu.memory_space<semaphore_mem>>
      %dma_start3A = tpu.memref_slice %arg3[%add3A_22] : memref<2064384xf32, #tpu.memory_space<hbm>> -> memref<16128xf32, #tpu.memory_space<hbm>>
      %dma_start3A_33 = tpu.memref_slice %arg3[%add3A_22] : memref<2064384xf32, #tpu.memory_space<hbm>> -> memref<16128xf32, #tpu.memory_space<hbm>>
      tpu.enqueue_dma source(%dma_start3A_33 : memref<16128xf32, #tpu.memory_space<hbm>>) target(%arg6 : memref<16128xf32, #tpu.memory_space<vmem>>) target_semaphore(%run_scoped3A_32 : memref<!tpu.dma_semaphore, #tpu.memory_space<semaphore_mem>>)
      %dma_wait3A = tpu.memref_slice %arg3[%add3A_22] : memref<2064384xf32, #tpu.memory_space<hbm>> -> memref<16128xf32, #tpu.memory_space<hbm>>
      %dma_wait3A_34 = tpu.memref_slice %arg3[%add3A_22] : memref<2064384xf32, #tpu.memory_space<hbm>> -> memref<16128xf32, #tpu.memory_space<hbm>>
      tpu.wait_dma2 semaphore(%run_scoped3A_32 : memref<!tpu.dma_semaphore, #tpu.memory_space<semaphore_mem>>) src(%dma_wait3A_34 : memref<16128xf32, #tpu.memory_space<hbm>>) dst(%arg6 : memref<16128xf32, #tpu.memory_space<vmem>>)
      tpu.yield
    }) : () -> ()
    %parallel_loop3A_23 = arith.constant 0 : i32
    %parallel_loop3A_24 = arith.constant 1008 : i32
    %parallel_loop3A_25 = arith.constant 1 : i32
    scf.for %parallel_loop3A_32 = %parallel_loop3A_23 to %parallel_loop3A_24 step %parallel_loop3A_25  : i32 {
      %parallel_loop3A_33 = arith.constant 16 : i32
      %parallel_loop3A_34 = arith.muli %parallel_loop3A_32, %parallel_loop3A_33 : i32
      %parallel_loop3A_35 = arith.index_cast %parallel_loop3A_34 : i32 to index
      %parallel_loop3A_36 = tpu.vector_load %arg6[%parallel_loop3A_35] {strides = array<i32>} : memref<16128xf32, #tpu.memory_space<vmem>>, vector<16xf32>,
      %parallel_loop3A_37 = arith.constant 16 : i32
      %parallel_loop3A_38 = arith.muli %parallel_loop3A_32, %parallel_loop3A_37 : i32
      %parallel_loop3A_39 = arith.index_cast %parallel_loop3A_38 : i32 to index
      %parallel_loop3A_40 = tpu.vector_load %arg5[%parallel_loop3A_39] {strides = array<i32>} : memref<16128xf32, #tpu.memory_space<vmem>>, vector<16xf32>,
      %parallel_loop3A_41 = arith.subf %parallel_loop3A_40, %parallel_loop3A_36 : vector<16xf32>
      %parallel_loop3A_42 = arith.subf %parallel_loop3A_40, %parallel_loop3A_36 : vector<16xf32>
      %parallel_loop3A_43 = arith.mulf %parallel_loop3A_41, %parallel_loop3A_42 : vector<16xf32>
      %parallel_loop3A_44 = arith.fptosi %parallel_loop3A_36 : vector<16xf32> to vector<16xi32>
      %parallel_loop3A_45 = arith.addi %parallel_loop3A_44, %mul3A_8 : vector<16xi32>
      tpu.vector_store_idx %arg7[%parallel_loop3A_45], %parallel_loop3A_43 {add = true} : memref<4096xf32, #tpu.memory_space<vmem>>[vector<16xi32>], vector<16xf32>,
      tpu.vector_store_idx %arg8[%parallel_loop3A_45], %broadcast_in_dim3A_5 {add = true} : memref<4096xf32, #tpu.memory_space<vmem>>[vector<16xi32>], vector<16xf32>,
    } {sc.loop_unroll_factor = 8 : i64, sc.parallel_access}
    %add3A_26 = arith.constant 48384 : i32
    %add3A_27 = arith.addi %mul3A_2, %add3A_26 : i32
    "tpu.region"() ({
      %run_scoped3A_32 = tpu.sem_alloc : memref<!tpu.dma_semaphore, #tpu.memory_space<semaphore_mem>>
      %dma_start3A = tpu.memref_slice %arg2[%add3A_27] : memref<2064384xf32, #tpu.memory_space<hbm>> -> memref<16128xf32, #tpu.memory_space<hbm>>
      %dma_start3A_33 = tpu.memref_slice %arg2[%add3A_27] : memref<2064384xf32, #tpu.memory_space<hbm>> -> memref<16128xf32, #tpu.memory_space<hbm>>
      tpu.enqueue_dma source(%dma_start3A_33 : memref<16128xf32, #tpu.memory_space<hbm>>) target(%arg5 : memref<16128xf32, #tpu.memory_space<vmem>>) target_semaphore(%run_scoped3A_32 : memref<!tpu.dma_semaphore, #tpu.memory_space<semaphore_mem>>)
      %dma_wait3A = tpu.memref_slice %arg2[%add3A_27] : memref<2064384xf32, #tpu.memory_space<hbm>> -> memref<16128xf32, #tpu.memory_space<hbm>>
      %dma_wait3A_34 = tpu.memref_slice %arg2[%add3A_27] : memref<2064384xf32, #tpu.memory_space<hbm>> -> memref<16128xf32, #tpu.memory_space<hbm>>
      tpu.wait_dma2 semaphore(%run_scoped3A_32 : memref<!tpu.dma_semaphore, #tpu.memory_space<semaphore_mem>>) src(%dma_wait3A_34 : memref<16128xf32, #tpu.memory_space<hbm>>) dst(%arg5 : memref<16128xf32, #tpu.memory_space<vmem>>)
      tpu.yield
    }) : () -> ()
    "tpu.region"() ({
      %run_scoped3A_32 = tpu.sem_alloc : memref<!tpu.dma_semaphore, #tpu.memory_space<semaphore_mem>>
      %dma_start3A = tpu.memref_slice %arg3[%add3A_27] : memref<2064384xf32, #tpu.memory_space<hbm>> -> memref<16128xf32, #tpu.memory_space<hbm>>
      %dma_start3A_33 = tpu.memref_slice %arg3[%add3A_27] : memref<2064384xf32, #tpu.memory_space<hbm>> -> memref<16128xf32, #tpu.memory_space<hbm>>
      tpu.enqueue_dma source(%dma_start3A_33 : memref<16128xf32, #tpu.memory_space<hbm>>) target(%arg6 : memref<16128xf32, #tpu.memory_space<vmem>>) target_semaphore(%run_scoped3A_32 : memref<!tpu.dma_semaphore, #tpu.memory_space<semaphore_mem>>)
      %dma_wait3A = tpu.memref_slice %arg3[%add3A_27] : memref<2064384xf32, #tpu.memory_space<hbm>> -> memref<16128xf32, #tpu.memory_space<hbm>>
      %dma_wait3A_34 = tpu.memref_slice %arg3[%add3A_27] : memref<2064384xf32, #tpu.memory_space<hbm>> -> memref<16128xf32, #tpu.memory_space<hbm>>
      tpu.wait_dma2 semaphore(%run_scoped3A_32 : memref<!tpu.dma_semaphore, #tpu.memory_space<semaphore_mem>>) src(%dma_wait3A_34 : memref<16128xf32, #tpu.memory_space<hbm>>) dst(%arg6 : memref<16128xf32, #tpu.memory_space<vmem>>)
      tpu.yield
    }) : () -> ()
    %parallel_loop3A_28 = arith.constant 0 : i32
    %parallel_loop3A_29 = arith.constant 1008 : i32
    %parallel_loop3A_30 = arith.constant 1 : i32
    scf.for %parallel_loop3A_32 = %parallel_loop3A_28 to %parallel_loop3A_29 step %parallel_loop3A_30  : i32 {
      %parallel_loop3A_33 = arith.constant 16 : i32
      %parallel_loop3A_34 = arith.muli %parallel_loop3A_32, %parallel_loop3A_33 : i32
      %parallel_loop3A_35 = arith.index_cast %parallel_loop3A_34 : i32 to index
      %parallel_loop3A_36 = tpu.vector_load %arg6[%parallel_loop3A_35] {strides = array<i32>} : memref<16128xf32, #tpu.memory_space<vmem>>, vector<16xf32>,
      %parallel_loop3A_37 = arith.constant 16 : i32
      %parallel_loop3A_38 = arith.muli %parallel_loop3A_32, %parallel_loop3A_37 : i32
      %parallel_loop3A_39 = arith.index_cast %parallel_loop3A_38 : i32 to index
      %parallel_loop3A_40 = tpu.vector_load %arg5[%parallel_loop3A_39] {strides = array<i32>} : memref<16128xf32, #tpu.memory_space<vmem>>, vector<16xf32>,
      %parallel_loop3A_41 = arith.subf %parallel_loop3A_40, %parallel_loop3A_36 : vector<16xf32>
      %parallel_loop3A_42 = arith.subf %parallel_loop3A_40, %parallel_loop3A_36 : vector<16xf32>
      %parallel_loop3A_43 = arith.mulf %parallel_loop3A_41, %parallel_loop3A_42 : vector<16xf32>
      %parallel_loop3A_44 = arith.fptosi %parallel_loop3A_36 : vector<16xf32> to vector<16xi32>
      %parallel_loop3A_45 = arith.addi %parallel_loop3A_44, %mul3A_8 : vector<16xi32>
      tpu.vector_store_idx %arg7[%parallel_loop3A_45], %parallel_loop3A_43 {add = true} : memref<4096xf32, #tpu.memory_space<vmem>>[vector<16xi32>], vector<16xf32>,
      tpu.vector_store_idx %arg8[%parallel_loop3A_45], %broadcast_in_dim3A_5 {add = true} : memref<4096xf32, #tpu.memory_space<vmem>>[vector<16xi32>], vector<16xf32>,
    } {sc.loop_unroll_factor = 8 : i64, sc.parallel_access}
    %run_scoped3A = arith.constant 0 : i32
    "tpu.region"() ({
      %run_scoped3A_32 = tpu.sem_alloc : memref<!tpu.dma_semaphore, #tpu.memory_space<semaphore_mem>>
      %dma_start3A = arith.constant 0 : i32
      %dma_start3A_33 = tpu.memref_slice %arg4[%add3A, %run_scoped3A, %dma_start3A] : memref<32x2x4096xf32, #tpu.memory_space<hbm>> -> memref<1x1x4096xf32, #tpu.memory_space<hbm>>
      %dma_start3A_34 = tpu.memref_squeeze %dma_start3A_33 : memref<1x1x4096xf32, #tpu.memory_space<hbm>> -> memref<4096xf32, #tpu.memory_space<hbm>>
      %dma_start3A_35 = arith.constant 0 : i32
      %dma_start3A_36 = tpu.memref_slice %arg4[%add3A, %run_scoped3A, %dma_start3A_35] : memref<32x2x4096xf32, #tpu.memory_space<hbm>> -> memref<1x1x4096xf32, #tpu.memory_space<hbm>>
      %dma_start3A_37 = tpu.memref_squeeze %dma_start3A_36 : memref<1x1x4096xf32, #tpu.memory_space<hbm>> -> memref<4096xf32, #tpu.memory_space<hbm>>
      tpu.enqueue_dma source(%arg7 : memref<4096xf32, #tpu.memory_space<vmem>>) target(%dma_start3A_37 : memref<4096xf32, #tpu.memory_space<hbm>>) target_semaphore(%run_scoped3A_32 : memref<!tpu.dma_semaphore, #tpu.memory_space<semaphore_mem>>)
      %dma_wait3A = arith.constant 0 : i32
      %dma_wait3A_38 = tpu.memref_slice %arg4[%add3A, %run_scoped3A, %dma_wait3A] : memref<32x2x4096xf32, #tpu.memory_space<hbm>> -> memref<1x1x4096xf32, #tpu.memory_space<hbm>>
      %dma_wait3A_39 = tpu.memref_squeeze %dma_wait3A_38 : memref<1x1x4096xf32, #tpu.memory_space<hbm>> -> memref<4096xf32, #tpu.memory_space<hbm>>
      %dma_wait3A_40 = arith.constant 0 : i32
      %dma_wait3A_41 = tpu.memref_slice %arg4[%add3A, %run_scoped3A, %dma_wait3A_40] : memref<32x2x4096xf32, #tpu.memory_space<hbm>> -> memref<1x1x4096xf32, #tpu.memory_space<hbm>>
      %dma_wait3A_42 = tpu.memref_squeeze %dma_wait3A_41 : memref<1x1x4096xf32, #tpu.memory_space<hbm>> -> memref<4096xf32, #tpu.memory_space<hbm>>
      tpu.wait_dma2 semaphore(%run_scoped3A_32 : memref<!tpu.dma_semaphore, #tpu.memory_space<semaphore_mem>>) src(%arg7 : memref<4096xf32, #tpu.memory_space<vmem>>) dst(%dma_wait3A_42 : memref<4096xf32, #tpu.memory_space<hbm>>)
      tpu.yield
    }) : () -> ()
    %run_scoped3A_31 = arith.constant 1 : i32
    "tpu.region"() ({
      %run_scoped3A_32 = tpu.sem_alloc : memref<!tpu.dma_semaphore, #tpu.memory_space<semaphore_mem>>
      %dma_start3A = arith.constant 0 : i32
      %dma_start3A_33 = tpu.memref_slice %arg4[%add3A, %run_scoped3A_31, %dma_start3A] : memref<32x2x4096xf32, #tpu.memory_space<hbm>> -> memref<1x1x4096xf32, #tpu.memory_space<hbm>>
      %dma_start3A_34 = tpu.memref_squeeze %dma_start3A_33 : memref<1x1x4096xf32, #tpu.memory_space<hbm>> -> memref<4096xf32, #tpu.memory_space<hbm>>
      %dma_start3A_35 = arith.constant 0 : i32
      %dma_start3A_36 = tpu.memref_slice %arg4[%add3A, %run_scoped3A_31, %dma_start3A_35] : memref<32x2x4096xf32, #tpu.memory_space<hbm>> -> memref<1x1x4096xf32, #tpu.memory_space<hbm>>
      %dma_start3A_37 = tpu.memref_squeeze %dma_start3A_36 : memref<1x1x4096xf32, #tpu.memory_space<hbm>> -> memref<4096xf32, #tpu.memory_space<hbm>>
      tpu.enqueue_dma source(%arg8 : memref<4096xf32, #tpu.memory_space<vmem>>) target(%dma_start3A_37 : memref<4096xf32, #tpu.memory_space<hbm>>) target_semaphore(%run_scoped3A_32 : memref<!tpu.dma_semaphore, #tpu.memory_space<semaphore_mem>>)
      %dma_wait3A = arith.constant 0 : i32
      %dma_wait3A_38 = tpu.memref_slice %arg4[%add3A, %run_scoped3A_31, %dma_wait3A] : memref<32x2x4096xf32, #tpu.memory_space<hbm>> -> memref<1x1x4096xf32, #tpu.memory_space<hbm>>
      %dma_wait3A_39 = tpu.memref_squeeze %dma_wait3A_38 : memref<1x1x4096xf32, #tpu.memory_space<hbm>> -> memref<4096xf32, #tpu.memory_space<hbm>>
      %dma_wait3A_40 = arith.constant 0 : i32
      %dma_wait3A_41 = tpu.memref_slice %arg4[%add3A, %run_scoped3A_31, %dma_wait3A_40] : memref<32x2x4096xf32, #tpu.memory_space<hbm>> -> memref<1x1x4096xf32, #tpu.memory_space<hbm>>
      %dma_wait3A_42 = tpu.memref_squeeze %dma_wait3A_41 : memref<1x1x4096xf32, #tpu.memory_space<hbm>> -> memref<4096xf32, #tpu.memory_space<hbm>>
      tpu.wait_dma2 semaphore(%run_scoped3A_32 : memref<!tpu.dma_semaphore, #tpu.memory_space<semaphore_mem>>) src(%arg8 : memref<4096xf32, #tpu.memory_space<vmem>>) dst(%dma_wait3A_42 : memref<4096xf32, #tpu.memory_space<hbm>>)
      tpu.yield
    }) : () -> ()
    return
  }
}

module attributes {stable_mosaic.version = 14 : i64} {
  func.func @_tc_epilogue(%arg0: memref<512x256xf32, #tpu.memory_space<vmem>>, %arg1: memref<512x256xf32, #tpu.memory_space<vmem>>, %arg2: memref<1x1xf32, #tpu.memory_space<vmem>>) attributes {dimension_semantics = [], scalar_prefetch = 0 : i64, scratch_operands = 0 : i64, tpu.core_type = #tpu.core_type<tc>} {
    %get3A = arith.constant 0 : index
    %get3A_0 = arith.constant 0 : index
    %get3A_1 = vector.load %arg0[%get3A, %get3A_0] : memref<512x256xf32, #tpu.memory_space<vmem>>, vector<512x256xf32>
    %reduce_sum3A = arith.constant dense<0.000000e+00> : vector<256xf32>
    %reduce_sum3A_2 = vector.multi_reduction <add>, %get3A_1, %reduce_sum3A [0] : vector<512x256xf32> to vector<256xf32>
    %broadcast_in_dim3A = vector.shape_cast %reduce_sum3A_2 : vector<256xf32> to vector<1x256xf32>
    %get3A_3 = arith.constant 0 : index
    %get3A_4 = arith.constant 0 : index
    %get3A_5 = vector.load %arg1[%get3A_3, %get3A_4] : memref<512x256xf32, #tpu.memory_space<vmem>>, vector<512x256xf32>
    %reduce_sum3A_6 = arith.constant dense<0.000000e+00> : vector<256xf32>
    %reduce_sum3A_7 = vector.multi_reduction <add>, %get3A_5, %reduce_sum3A_6 [0] : vector<512x256xf32> to vector<256xf32>
    %broadcast_in_dim3A_8 = vector.shape_cast %reduce_sum3A_7 : vector<256xf32> to vector<1x256xf32>
    %mul3A = arith.constant 3.78442211E-9 : f32
    %mul3A_9 = vector.broadcast %mul3A : f32 to vector<1x256xf32>
    %mul3A_10 = arith.mulf %broadcast_in_dim3A_8, %mul3A_9 : vector<1x256xf32>
    %add3A = arith.constant 9.99999996E-13 : f32
    %add3A_11 = vector.broadcast %add3A : f32 to vector<1x256xf32>
    %add3A_12 = arith.addf %mul3A_10, %add3A_11 : vector<1x256xf32>
    %div3A = arith.constant 1.000000e+00 : f32
    %div3A_13 = vector.broadcast %div3A : f32 to vector<1x256xf32>
    %div3A_14 = arith.divf %div3A_13, %add3A_12 : vector<1x256xf32>
    %reduce_sum3A_15 = vector.shape_cast %div3A_14 : vector<1x256xf32> to vector<1x1x256xf32>
    %reduce_sum3A_16 = arith.constant dense<0.000000e+00> : vector<1xf32>
    %reduce_sum3A_17 = vector.multi_reduction <add>, %reduce_sum3A_15, %reduce_sum3A_16 [1, 2] : vector<1x1x256xf32> to vector<1xf32>
    %reduce_sum3A_18 = vector.shape_cast %reduce_sum3A_17 : vector<1xf32> to vector<1x1x1xf32>
    %reduce_sum3A_19 = vector.extract %reduce_sum3A_18[0, 0, 0] : f32 from vector<1x1x1xf32>
    %div3A_20 = vector.broadcast %reduce_sum3A_19 : f32 to vector<1x256xf32>
    %div3A_21 = arith.divf %div3A_14, %div3A_20 : vector<1x256xf32>
    %mul3A_22 = arith.mulf %div3A_21, %broadcast_in_dim3A : vector<1x256xf32>
    %reduce_sum3A_23 = vector.shape_cast %mul3A_22 : vector<1x256xf32> to vector<1x1x256xf32>
    %reduce_sum3A_24 = arith.constant dense<0.000000e+00> : vector<1xf32>
    %reduce_sum3A_25 = vector.multi_reduction <add>, %reduce_sum3A_23, %reduce_sum3A_24 [1, 2] : vector<1x1x256xf32> to vector<1xf32>
    %reduce_sum3A_26 = vector.shape_cast %reduce_sum3A_25 : vector<1xf32> to vector<1x1x1xf32>
    %reduce_sum3A_27 = vector.extract %reduce_sum3A_26[0, 0, 0] : f32 from vector<1x1x1xf32>
    %mul3A_28 = arith.constant 1.000000e+00 : f32
    %mul3A_29 = arith.mulf %reduce_sum3A_27, %mul3A_28 : f32
    %reshape3A = vector.broadcast %mul3A_29 : f32 to vector<1x1xf32>
    %swap3A = arith.constant 0 : index
    %swap3A_30 = arith.constant 0 : index
    %swap3A_31 = vector.load %arg2[%swap3A, %swap3A_30] : memref<1x1xf32, #tpu.memory_space<vmem>>, vector<1x1xf32>
    tpu.vector_store %arg2[%swap3A, %swap3A_30], %reshape3A {strides = array<i32>} : memref<1x1xf32, #tpu.memory_space<vmem>>, vector<1x1xf32>,
    return
  }
}

</mosaic_0001>

<sc_bundles>
// kernel: kernel.4.cloned.1.call-start
scs
__scs_entry_jumppad:
0x0: {  	(pc) =	sbr.rel $0x88, $3  }
0x1: {  	(tag) =	ssettag $0x0;
	lr =	simm.s32 $0x1  }
0x2: {  	[smem:$0x3F9F] =	sst lr;
	_ =	strace $0xD0000000  }
0x3: {  	_ = 	snop  }
0x4: {  	_ = 	snop  }
0x5: {  	_ = 	snop  }
0x6: {  	_ = 	snop  }
0x7: {  	_ = 	snop  }
__scs_overlays_trampoline_lowered:
0x8: {  	[smem:$0x3FAE] =	sst s0  }
0x9: {  	[smem:$0x3FAF] =	sst s1  }
0xa: {  	[smem:$0x3FB0] =	sst s2  }
0xb: {  	[smem:$0x3FB1] =	sst s3  }
0xc: {  	[smem:$0x3FB2] =	sst s4  }
0xd: {  	[smem:$0x3FB3] =	sst s5  }
0xe: {  	[smem:$0x3FB4] =	sst s6  }
0xf: {  	[smem:$0x3FB5] =	sst s7  }
0x10: {  	[smem:$0x3FB6] =	sst s8  }
0x11: {  	[smem:$0x3FB7] =	sst s9;
	s0 =	simm.s32 @!p0 $0x0  }
0x12: {  	s1 =	sld [smem:$0x3F9D];
	s0 =	simm.s32 @p0 $0x1  }
0x13: {  	[smem:$0x3FB8] =	sst s0;
	s0 =	simm.s32 @!p1 $0x0  }
0x14: {  	s2 =	sld [smem:$0x3F9C];
	s0 =	simm.s32 @p1 $0x1  }
0x15: {  	[smem:$0x3FB9] =	sst s0;
	s0 =	simm.s32 @!p2 $0x0  }
0x16: {  	s3 =	sld [smem:$0x3FDB];
	s0 =	simm.s32 @p2 $0x1  }
0x17: {  	s4 =	simm.s32 $0x1BF5;
	[smem:$0x3FBB] =	sst s0  }
0x18: {  	s0 =	sld [smem:$0x3F9E];
	_ =	swait.ge [sflag:s4], $0x0  }
0x19: {  	s7 =	sld [smem:$0x3F9F]  }
0x1a: {  	s8 =	sadd.s32 $0xFFFFE003, lr  }
0x1b: {  	s9 =	sadd.s32 $0xFFFFFEF7, lr;
	s5 =	simm.s32 $0xFFFFFFFF;
	p2 =	slt.u32 s8, $0xFFFFF086  }
0x1c: {  	p1 =	slt.u32 s9, $0xF7A;
	s5 =	simm.s32 @!p2 $0x0  }
0x1d: {  	s5 =	simm.s32 @p1 $0x1;
	p0 =	seq.s32 s7, s2  }
0x1e: {  	s7 =	smul.u32 @!p0 $0xF7A, s2;
	p2 =	seq.s32 @!p0 s5, $0x0  }
0x1f: {  	s9 =	smul.u32 $0xF7A, s1;
	s8 =	simm.s32 @!p0 $0x1BF5;
	p2 =	por !p2, p0  }
0x20: {  	[sflag:s8] =	ssyncset.s32 @!p0 $0xFFFFF086;
	s6 =	sadd.s32 @!p0 s3, s7;
	s7 =	simm.s32 @!p0 $0x108  }
0x21: {  	s3 =	sadd.s32 s3, s9;
	s6 =	sadd.s32 @!p0 $0x88, s6;
	s7 =	simm.s32 @p2 $0x1082  }
0x22: {  	[simem:s7], [sflag:s8] =	dma.local @!p0 [hbm:s6], $0xF7A  }
0x23: {  	s9 =	sor.u32 $0xD0000000, s2;
	s6 =	simm.s32 $0x108;
	_ =	swait.ge @!p0 [sflag:s8], $0x0  }
0x24: {  	s3 =	sadd.s32 $0x88, s3;
	s6 =	simm.s32 @!p1 $0x1082;
	[sflag:s4] =	ssyncset.s32 $0xFFFFF086  }
0x25: {  	[simem:s6], [sflag:s4] =	dma.local [hbm:s3], $0xF7A  }
0x26: {  	[smem:$0x3F9F] =	sst s1;
	(tag) =	ssettag s2;
	_ =	strace s9  }
0x27: {  	s1 =	sld [smem:$0x3FAF]  }
0x28: {  	s2 =	sld [smem:$0x3FB0]  }
0x29: {  	s4 =	sld [smem:$0x3FB2]  }
0x2a: {  	p0 =	seq.s32 s5, $0x0;
	s5 =	sld [smem:$0x3FB3]  }
0x2b: {  	s6 =	sld [smem:$0x3FB4]  }
0x2c: {  	s7 =	sld [smem:$0x3FB5]  }
0x2d: {  	s3 =	simm.s32 $0x108;
	s8 =	sld [smem:$0x3FB6]  }
0x2e: {  	s3 =	simm.s32 @!p0 $0x1082;
	s9 =	sld [smem:$0x3FB7]  }
0x2f: {  	lr =	sadd.s32 s0, s3;
	s0 =	sld [smem:$0x3FAE]  }
0x30: {  	s3 =	sld [smem:$0x3FB1]  }
0x31: {  	[smem:$0x3FBA] =	sst s10  }
0x32: {  	s10 =	sld [smem:$0x3FB8];
	_ =	sdelay $0x3  }
0x33: {  	p0 =	seq.s32 s10, $0x1;
	s10 =	sld [smem:$0x3FBA];
	_ =	sdelay $0x3  }
0x34: {  	[smem:$0x3FBA] =	sst s10  }
0x35: {  	s10 =	sld [smem:$0x3FB9];
	_ =	sdelay $0x3  }
0x36: {  	p1 =	seq.s32 s10, $0x1;
	s10 =	sld [smem:$0x3FBA];
	_ =	sdelay $0x3  }
0x37: {  	[smem:$0x3FBA] =	sst s10  }
0x38: {  	s10 =	sld [smem:$0x3FBB]  }
0x39: {  	_ = 	snop;
	(pc) =	sbr.ind lr, $3  }
0x3a: {  	_ = 	snop  }
0x3b: {  	_ = 	snop  }
0x3c: {  	p2 =	seq.s32 s10, $0x1;
	s10 =	sld [smem:$0x3FBA]  }
0x3d: {  	_ =	shalt  }
0x3e: {  	_ =	shalt  }
0x3f: {  	_ =	shalt  }
0x40: {  	_ =	shalt  }
0x41: {  	_ =	shalt  }
0x42: {  	_ =	shalt  }
0x43: {  	_ =	shalt  }
0x44: {  	_ =	shalt  }
0x45: {  	_ =	shalt  }
0x46: {  	_ =	shalt  }
0x47: {  	_ =	shalt  }
0x48: {  	_ =	shalt  }
0x49: {  	_ =	shalt  }
0x4a: {  	_ =	shalt  }
0x4b: {  	_ =	shalt  }
0x4c: {  	_ =	shalt  }
0x4d: {  	_ =	shalt  }
0x4e: {  	_ =	shalt  }
0x4f: {  	_ =	shalt  }
0x50: {  	_ =	shalt  }
0x51: {  	_ =	shalt  }
0x52: {  	_ =	shalt  }
0x53: {  	_ =	shalt  }
0x54: {  	_ =	shalt  }
0x55: {  	_ =	shalt  }
0x56: {  	_ =	shalt  }
0x57: {  	_ =	shalt  }
0x58: {  	_ =	shalt  }
0x59: {  	_ =	shalt  }
0x5a: {  	_ =	shalt  }
0x5b: {  	_ =	shalt  }
0x5c: {  	_ =	shalt  }
0x5d: {  	_ =	shalt  }
0x5e: {  	_ =	shalt  }
0x5f: {  	_ =	shalt  }
0x60: {  	_ =	shalt  }
0x61: {  	_ =	shalt  }
0x62: {  	_ =	shalt  }
0x63: {  	_ =	shalt  }
0x64: {  	_ =	shalt  }
0x65: {  	_ =	shalt  }
0x66: {  	_ =	shalt  }
0x67: {  	_ =	shalt  }
0x68: {  	_ =	shalt  }
0x69: {  	_ =	shalt  }
0x6a: {  	_ =	shalt  }
0x6b: {  	_ =	shalt  }
0x6c: {  	_ =	shalt  }
0x6d: {  	_ =	shalt  }
0x6e: {  	_ =	shalt  }
0x6f: {  	_ =	shalt  }
0x70: {  	_ =	shalt  }
0x71: {  	_ =	shalt  }
0x72: {  	_ =	shalt  }
0x73: {  	_ =	shalt  }
0x74: {  	_ =	shalt  }
0x75: {  	_ =	shalt  }
0x76: {  	_ =	shalt  }
0x77: {  	_ =	shalt  }
0x78: {  	_ =	shalt  }
0x79: {  	_ =	shalt  }
0x7a: {  	_ =	shalt  }
0x7b: {  	_ =	shalt  }
0x7c: {  	_ =	shalt  }
0x7d: {  	_ =	shalt  }
0x7e: {  	_ =	shalt  }
0x7f: {  	_ =	shalt  }
0x80: {  	_ =	shalt  }
0x81: {  	_ =	shalt  }
0x82: {  	_ =	shalt  }
0x83: {  	_ =	shalt  }
0x84: {  	_ =	shalt  }
0x85: {  	_ =	shalt  }
0x86: {  	_ =	shalt  }
0x87: {  	_ =	shalt  }
.Lfunc_end0:
.L_simem_size_0:
called_computation_lowered:
.L_overlay_start_0:
0x88: {  	s2 =	sld [smem:$0x3FD9]  }
0x89: {  	s3 =	sld [smem:$0x3FFE];
	_ =	sdelay $0x1  }
0x8a: {  	s1 =	srdreg.scid  }
0x8b: {  	s0 =	sand.u32 $0x1, s1  }
0x8c: {  	s16 =	sshll.u32 s0, $0xA;
	s2 =	sadd.s32 s3, s2  }
0x8d: {  	s2 =	sadd.s32 s2, s16  }
0x8e: {  	[smem:$0x3FC6] =	sst s2  }
0x8f: {  	_ = 	snop  }
0x90: {  	(tm) =	ssettm $0x1  }
0x91: {  	s17 =	sld [smem:$0x3FFB];
	_ =	sdelay $0x3  }
0x92: {  	_ =	strace s17  }
0x93: {  	s2 =	sld [smem:$0x3FFC];
	_ =	sdelay $0x3  }
0x94: {  	_ =	strace s2  }
0x95: {  	s2 =	sld [smem:$0x3FFD];
	_ =	sdelay $0x3  }
0x96: {  	_ =	strace s2  }
0x97: {  	_ =	strace $0x8FFFFFFF  }
0x98: {  	s18 =	sld [smem:$0x3FDB];
	_ =	sdelay $0x1  }
0x99: {  	s19 =	simm.s32 $_scs_section_size  }
0x9a: {  	s4 =	simm.s32 $_size__tile_overlayer_lowered;
	s5 =	simm.s32 $_tile_overlayer_lowered  }
0x9b: {  	s22 =	simm.s32 $0x1BFF;
	s21 =	sshll.u32 s5, $0x1;
	s2 =	sadd.s32 s19, s18  }
0x9c: {  	s6 =	simm.s32 $0x0;
	s20 =	sshll.u32 s4, $0x1;
	s4 =	sadd.s32 s21, s2  }
0x9d: {  	[timem:s6], [sflag:s22] =	dma.local [hbm:s4], s20  }
0x9e: {  	_ =	swait.ge [sflag:s22], s20  }
0x9f: {  	s3 =	ssub.s32 $0x0, s20;
	[sflag:s22] =	ssyncset.done $0x0  }
0xa0: {  	[sflag:s22] =	ssyncadd.s32 s3;
	_ =	sdelay $0x1  }
0xa1: {  	s23 =	simm.s32 $0x1B8B  }
0xa2: {  	_ =	swait.ge [sflag:s23], $0x1  }
0xa3: {  	[sflag:s23] =	ssyncset.done $0x0  }
0xa4: {  	s25 =	simm.s32 $0x1B8E;
	s24 =	sld [smem:$0x3FFE];
	[sflag:s23] =	ssyncadd.s32 $0xFFFFFFFF  }
0xa5: {  	s26 =	simm.s32 $execute0_lowered;
	[smem:$0x3FD2] =	sst s25  }
0xa6: {  	s4 =	sshll.u32 s26, $0x1;
	_ =	strace $0x80000046;
	[dreg:$0x1] =	wrdreg $0xFFFFFFFF  }
0xa7: {  	s28 =	simm.s32 $_size_execute0_lowered;
	s2 =	sadd.s32 s2, s4;
	[dreg:$0x0] =	wrdreg $0x0  }
0xa8: {  	s4 =	sshll.u32 s28, $0x1;
	[dreg:$0x2] =	wrdreg s2  }
0xa9: {  	[dreg:$0x3] =	wrdreg s4  }
0xaa: {  	[dreg:$0x4] =	wrdreg $0xC0  }
0xab: {  	_ =	task [dreg:s6], $0x5FFFF  }
0xac: {  	[dreg:$0x1] =	wrdreg $0xFFFFFFFF  }
0xad: {  	[dreg:$0x0] =	wrdreg $0x60  }
0xae: {  	[dreg:$0x2] =	wrdreg s24  }
0xaf: {  	[dreg:$0x3] =	wrdreg $0x9  }
0xb0: {  	_ =	task.clear_ibuf [dreg:s6], $0x4FFFF;
	_ =	strace $0x90000046  }
0xb1: {  	s29 =	simm.s32 $0x9;
	_ =	strace $0x80000048  }
0xb2: {  	_ =	swait.ge [sflag:s29], $0x1  }
0xb3: {  	[sflag:s29] =	ssyncadd.s32 $0xFFFFFFFF  }
0xb4: {  	_ =	strace $0x90000048  }
0xb5: {  	_ =	sfence  }
0xb6: {  	s30 =	sld [smem:$0x0];
	_ =	sdelay $0x2  }
0xb7: {  	s31 =	sshll.u32 s1, $0xD;
	s1 =	sshrl.u32 s1, $0x2  }
0xb8: {  	s3 =	sand.u32 $0x4000, s31;
	s1 =	sadd.s32 s1, s30  }
0xb9: {  	s0 =	sor.u32 s3, s0;
	s1 =	sshll.u32 s1, $0x11  }
0xba: {  	s0 =	sor.u32 s1, s0  }
0xbb: {  	s0 =	sadd.s32 $0x8F2B, s0  }
0xbc: {  	[sflag:s0] =	ssyncadd.remote.s32 $0x1  }
0xbd: {  	_ =	sfence.sel $0xFFFF  }
0xbe: {  	[dreg:$0x0] =	wrdreg $0xFFFFFFFF;
	(pc) =	sbr.abs _section_cstart, $3  }
0xbf: {  	[dreg:$0x1] =	wrdreg $0xFFFFFFFF  }
0xc0: {  	_ =	task.clear_ibuf [dreg:s6], $0x2FFFF;
	_ =	strace $0x9FFFFFFF  }
0xc1: {  	(tm) =	ssettm $0x7FFFFFFF  }
tec
execute0_lowered:
.L_overlay_start_1:
0x0: {  	(tag) =	ssettag $0x1  }
0x1: {  	s3 =	rddreg [dreg:$0x0]  }
0x2: {  	s0 =	rddreg [dreg:$0x1];
	s2 =	simm.s32 $0x0;
	s4 =	srdreg.scid  }
0x3: {  	s1 =	stileid.u32;
	s14 =	simm.s32 $0x1;
	s15 =	simm.s32 $0x3F00  }
0x4: {  	s16 =	simm.s32 $0x7E00;
	s17 =	simm.s32 $0x8E00;
	s18 =	simm.s32 $0x80  }
0x5: {  	s19 =	simm.s32 $0x100;
	s4 =	sand.u32 $0x1, s4;
	s5 =	sshll.u32 s1, $0x1  }
0x6: {  	s20 =	simm.s32 $0x0;
	[smem:$0x7FF] =	sst s2;
	s5 =	sor.u32 s4, s5  }
0x7: {  	s9 =	sadd.s32 $0x400, s3;
	s4 =	ssub.s32 $0x2, s4;
	s6 =	smul.u32 $0xFC00, s5  }
0x8: {  	s10 =	sadd.s32 $0x3F400, s3;
	_ =	strace $0x80000047;
	s7 =	sshrl.u32 s4, $0x1  }
0x9: {  	s5 =	sshll.u32 s5, $0xA;
	s13 =	ssub.s32 s4, s7;
	s11 =	sshrl.u32 s6, $0x3  }
0xa: {  	s12 =	sadd.s32 s5, s3;
	s13 =	smax.u32 s13, $0x1;
	s3 =	sadd.s32 s9, s11  }
0xb: {  	s4 =	sadd.s32 s10, s11;
	s6 =	sadd.s32 $0x7E0, s11;
	s8 =	sadd.s32 $0xFC0, s11  }
0xc: {  	s11 =	sadd.s32 $0x17A0, s11;
	s5 =	sadd.s32 s9, s6;
	s6 =	sadd.s32 s10, s6  }
0xd: {  	v1 =	vlaneseq.u32;
	s7 =	sadd.s32 s9, s8;
	s8 =	sadd.s32 s10, s8;
	s9 =	sadd.s32 s9, s11  }
0xe: {  	v0 =	vimm.f32 $0.0e+00;
	v2 =	vimm.f32 $1.000000000e+00;
	v1 =	vmul.u32 $0x100, v1;
	s10 =	sadd.s32 s10, s11;
	s11 =	sadd.s32 $0x7E400, s12;
	s12 =	sadd.s32 $0x7E410, s12  }
.LBB2_1:
0xf: {  	s22 =	simm.s32 $0x7E20  }
0x10: {  	[tilespmem:s22+$0xFFFFFFF0] =	vst v0  }
0x11: {  	[tilespmem:s22+$0x0] =	vst v0  }
0x12: {  	[tilespmem:s22+$0x10] =	vst v0  }
0x13: {  	s21 =	simm.s32 $0x8E20;
	[tilespmem:s22+$0xFFFFFFE0] =	vst v0  }
0x14: {  	[tilespmem:s21+$0xFFFFFFF0] =	vst v0  }
0x15: {  	[tilespmem:s21+$0x0] =	vst v0  }
0x16: {  	[tilespmem:s21+$0x10] =	vst v0  }
0x17: {  	s23 =	simm.s32 $0x7E60;
	s22 =	simm.s32 $0x0;
	[tilespmem:s21+$0xFFFFFFE0] =	vst v0  }
.LBB2_2:
0x18: {  	[tilespmem:s23+$0xFFFFFFF0] =	vst v0;
	s21 =	sadd.s32 $0x40, s21  }
0x19: {  	s22 =	sadd.s32 $0x4, s22;
	[tilespmem:s21+$0xFFFFFFF0] =	vst v0  }
0x1a: {  	p0 =	slt.u32 s22, $0xFC;
	[tilespmem:s23+$0x0] =	vst v0  }
.Ltmp0:
0x1b: {  	[tilespmem:s21+$0x0] =	vst v0;
	(pc) =	sbr.rel @p0 .LBB2_2-.Ltmp0, $4  }
0x1c: {  	[tilespmem:s23+$0x10] =	vst v0  }
0x1d: {  	[tilespmem:s21+$0x10] =	vst v0  }
0x1e: {  	[tilespmem:s23+$0xFFFFFFE0] =	vst v0  }
0x1f: {  	s23 =	sadd.s32 $0x40, s23;
	[tilespmem:s21+$0xFFFFFFE0] =	vst v0  }
0x20: {  	[tilespmem:s2], [sflag:$0x1] =	stream.linear.gather [hbm4b:s3+s2], $0x3F00, $0x38;
	[tilespmem:$0x9E00] =	vst v63  }
0x21: {  	_ =	swait.ge [sflag:s14], $0x3F00  }
0x22: {  	[sflag:s14] =	ssyncset.done $0x0  }
0x23: {  	[sflag:s14] =	ssyncadd.s32 $0xFFFFC100  }
0x24: {  	[tilespmem:s15], [sflag:$0x1] =	stream.linear.gather [hbm4b:s4+s2], $0x3F00, $0x38;
	[tilespmem:$0x9E00] =	vst v63  }
0x25: {  	_ =	swait.ge [sflag:s14], $0x3F00  }
0x26: {  	[sflag:s14] =	ssyncset.done $0x0  }
0x27: {  	s22 =	simm.s32 $0x3F40;
	[sflag:s14] =	ssyncadd.s32 $0xFFFFC100  }
0x28: {  	v3 =	vld [tilespmem:s22+$0x30]  }
0x29: {  	v4 =	vld [tilespmem:s22+$0xFFFFFFD0]  }
0x2a: {  	v5 =	vld [tilespmem:s22+$0xFFFFFFE0]  }
0x2b: {  	s21 =	simm.s32 $0x40;
	v6 =	vld [tilespmem:s22+$0xFFFFFFF0]  }
0x2c: {  	v7 =	vld [tilespmem:s21+$0x30]  }
0x2d: {  	v8 =	vld [tilespmem:s22+$0x0]  }
0x2e: {  	v10 =	vld [tilespmem:s22+$0x10];
	v9 =	vtrunc.f32 v3  }
0x2f: {  	v11 =	vld [tilespmem:s22+$0xFFFFFFC0];
	v9 =	vcvt.f32.s32 v9  }
0x30: {  	v52 =	vld [tilespmem:s21+$0xFFFFFFD0]  }
0x31: {  	v15 =	vld [tilespmem:s21+$0xFFFFFFE0];
	v13 =	vtrunc.f32 v4;
	v9 =	vadd.s32 v1, v9  }
0x32: {  	v55 =	vld [tilespmem:s21+$0x0];
	v3 =	vsub.f32 v7, v3;
	v53 =	vtrunc.f32 v5;
	v13 =	vcvt.f32.s32 v13  }
0x33: {  	v12 =	vld [tilespmem:s22+$0x20];
	v19 =	vtrunc.f32 v8;
	v54 =	vcvt.f32.s32 v53  }
0x34: {  	v14 =	vld [tilespmem:s21+$0xFFFFFFC0];
	v58 =	vcvt.f32.s32 v19;
	v3 =	vmul.f32 v3, v3;
	v13 =	vadd.s32 v1, v13  }
0x35: {  	v16 =	vld [tilespmem:s21+$0xFFFFFFF0];
	v17 =	vtrunc.f32 v11;
	v4 =	vsub.f32 v52, v4;
	v7 =	vadd.s32 v1, v54  }
0x36: {  	v5 =	vsub.f32 v15, v5;
	v61 =	vadd.s32 v1, v58;
	[tilespmem:v9+s16+$0x0] =	vst.idx.add.f32.msk $0xffff, v3;
	v3 =	vcvt.f32.s32 v17  }
0x37: {  	v57 =	vld [tilespmem:s21+$0x10];
	v8 =	vsub.f32 v55, v8;
	v4 =	vmul.f32 v4, v4  }
0x38: {  	v18 =	vld [tilespmem:s21+$0x20];
	v5 =	vmul.f32 v5, v5;
	v3 =	vadd.s32 v1, v3  }
0x39: {  	v56 =	vtrunc.f32 v6;
	v11 =	vsub.f32 v14, v11;
	v8 =	vmul.f32 v8, v8;
	[tilespmem:v13+s16+$0x0] =	vst.idx.add.f32.msk $0xffff, v4  }
0x3a: {  	v17 =	vcvt.f32.s32 v56;
	[tilespmem:v7+s16+$0x0] =	vst.idx.add.f32.msk $0xffff, v5  }
0x3b: {  	v11 =	vmul.f32 v11, v11;
	[tilespmem:v61+s16+$0x0] =	vst.idx.add.f32.msk $0xffff, v8  }
0x3c: {  	v59 =	vtrunc.f32 v10;
	[tilespmem:v9+s17+$0x0] =	vst.idx.add.f32.msk $0xffff, v2;
	v4 =	vadd.s32 v1, v17  }
0x3d: {  	v6 =	vsub.f32 v16, v6;
	v60 =	vcvt.f32.s32 v59;
	[tilespmem:v3+s16+$0x0] =	vst.idx.add.f32.msk $0xffff, v11  }
0x3e: {  	[tilespmem:v3+s17+$0x0] =	vst.idx.add.f32.msk $0xffff, v2;
	v3 =	vtrunc.f32 v12  }
0x3f: {  	v6 =	vmul.f32 v6, v6;
	v5 =	vadd.s32 v1, v60;
	[tilespmem:v13+s17+$0x0] =	vst.idx.add.f32.msk $0xffff, v2;
	v3 =	vcvt.f32.s32 v3  }
0x40: {  	v62 =	vsub.f32 v57, v10;
	[tilespmem:v7+s17+$0x0] =	vst.idx.add.f32.msk $0xffff, v2  }
0x41: {  	[tilespmem:v4+s16+$0x0] =	vst.idx.add.f32.msk $0xffff, v6;
	v3 =	vadd.s32 v1, v3  }
0x42: {  	v63 =	vmul.f32 v62, v62;
	[tilespmem:v4+s17+$0x0] =	vst.idx.add.f32.msk $0xffff, v2;
	v4 =	vsub.f32 v18, v12  }
0x43: {  	[tilespmem:v61+s17+$0x0] =	vst.idx.add.f32.msk $0xffff, v2  }
0x44: {  	[tilespmem:v5+s16+$0x0] =	vst.idx.add.f32.msk $0xffff, v63;
	v4 =	vmul.f32 v4, v4  }
0x45: {  	[tilespmem:v5+s17+$0x0] =	vst.idx.add.f32.msk $0xffff, v2  }
0x46: {  	s23 =	simm.s32 $0x3FC0;
	s22 =	simm.s32 $0x0;
	[tilespmem:v3+s16+$0x0] =	vst.idx.add.f32.msk $0xffff, v4  }
.LBB2_4:
0x47: {  	v4 =	vld [tilespmem:s23+$0x30]  }
0x48: {  	s22 =	sadd.s32 $0x8, s22;
	v5 =	vld [tilespmem:s23+$0xFFFFFFD0]  }
0x49: {  	p0 =	slt.u32 s22, $0x3E8;
	v6 =	vld [tilespmem:s23+$0xFFFFFFE0]  }
0x4a: {  	s21 =	sadd.s32 $0x80, s21;
	v7 =	vld [tilespmem:s23+$0xFFFFFFF0]  }
0x4b: {  	v8 =	vld [tilespmem:s21+$0x30]  }
0x4c: {  	v9 =	vld [tilespmem:s23+$0x0];
	v10 =	vtrunc.f32 v4  }
0x4d: {  	v11 =	vtrunc.f32 v5;
	v12 =	vld [tilespmem:s23+$0x10];
	v10 =	vcvt.f32.s32 v10  }
0x4e: {  	v11 =	vcvt.f32.s32 v11;
	v13 =	vtrunc.f32 v6;
	v14 =	vld [tilespmem:s23+$0x20]  }
0x4f: {  	v15 =	vld [tilespmem:s23+$0xFFFFFFC0];
	v13 =	vcvt.f32.s32 v13;
	v16 =	vtrunc.f32 v7;
	v10 =	vadd.s32 v1, v10  }
0x50: {  	v17 =	vld [tilespmem:s21+$0xFFFFFFC0];
	v11 =	vadd.s32 v1, v11;
	v16 =	vcvt.f32.s32 v16;
	v4 =	vsub.f32 v8, v4  }
0x51: {  	v8 =	vld [tilespmem:s21+$0xFFFFFFD0];
	v13 =	vadd.s32 v1, v13;
	v18 =	vtrunc.f32 v9  }
0x52: {  	v19 =	vld [tilespmem:s21+$0xFFFFFFE0];
	v16 =	vadd.s32 v1, v16;
	v20 =	vtrunc.f32 v12;
	v4 =	vmul.f32 v4, v4  }
0x53: {  	v18 =	vcvt.f32.s32 v18;
	v21 =	vld [tilespmem:s21+$0xFFFFFFF0];
	v22 =	vtrunc.f32 v14  }
0x54: {  	v20 =	vcvt.f32.s32 v20;
	v23 =	vtrunc.f32 v15;
	[tilespmem:v10+s16+$0x0] =	vst.idx.add.f32.msk $0xffff, v4  }
0x55: {  	v4 =	vsub.f32 v17, v15;
	v15 =	vcvt.f32.s32 v23;
	v17 =	vcvt.f32.s32 v22;
	[tilespmem:v10+s17+$0x0] =	vst.idx.add.f32.msk $0xffff, v2  }
0x56: {  	v10 =	vadd.s32 v1, v18;
	v18 =	vadd.s32 v1, v20;
	v5 =	vsub.f32 v8, v5;
	v8 =	vld [tilespmem:s21+$0x0]  }
0x57: {  	v4 =	vmul.f32 v4, v4;
	v15 =	vadd.s32 v1, v15;
	v6 =	vsub.f32 v19, v6;
	v19 =	vld [tilespmem:s21+$0x10]  }
0x58: {  	v17 =	vadd.s32 v1, v17;
	v5 =	vmul.f32 v5, v5;
	v7 =	vsub.f32 v21, v7;
	v20 =	vld [tilespmem:s21+$0x20]  }
0x59: {  	v6 =	vmul.f32 v6, v6;
	[tilespmem:v3+s17+$0x0] =	vst.idx.add.f32.msk $0xffff, v2;
	v3 =	vmov v17  }
0x5a: {  	[tilespmem:v11+s16+$0x0] =	vst.idx.add.f32.msk $0xffff, v5;
	v5 =	vmul.f32 v7, v7  }
0x5b: {  	[tilespmem:v11+s17+$0x0] =	vst.idx.add.f32.msk $0xffff, v2;
	v7 =	vsub.f32 v8, v9  }
0x5c: {  	[tilespmem:v15+s16+$0x0] =	vst.idx.add.f32.msk $0xffff, v4;
	v4 =	vsub.f32 v19, v12  }
0x5d: {  	[tilespmem:v15+s17+$0x0] =	vst.idx.add.f32.msk $0xffff, v2;
	v7 =	vmul.f32 v7, v7;
	v8 =	vsub.f32 v20, v14  }
0x5e: {  	[tilespmem:v13+s16+$0x0] =	vst.idx.add.f32.msk $0xffff, v6;
	v4 =	vmul.f32 v4, v4  }
0x5f: {  	[tilespmem:v13+s17+$0x0] =	vst.idx.add.f32.msk $0xffff, v2;
	v6 =	vmul.f32 v8, v8  }
0x60: {  	[tilespmem:v16+s16+$0x0] =	vst.idx.add.f32.msk $0xffff, v5  }
0x61: {  	[tilespmem:v16+s17+$0x0] =	vst.idx.add.f32.msk $0xffff, v2  }
.Ltmp1:
0x62: {  	[tilespmem:v10+s16+$0x0] =	vst.idx.add.f32.msk $0xffff, v7;
	(pc) =	sbr.rel @p0 .LBB2_4-.Ltmp1, $4  }
0x63: {  	[tilespmem:v10+s17+$0x0] =	vst.idx.add.f32.msk $0xffff, v2  }
0x64: {  	[tilespmem:v18+s16+$0x0] =	vst.idx.add.f32.msk $0xffff, v4  }
0x65: {  	[tilespmem:v18+s17+$0x0] =	vst.idx.add.f32.msk $0xffff, v2  }
0x66: {  	s23 =	sadd.s32 $0x80, s23;
	[tilespmem:v17+s16+$0x0] =	vst.idx.add.f32.msk $0xffff, v6  }
0x67: {  	_ =	sdelay $0x3  }
0x68: {  	[tilespmem:v3+s17+$0x0] =	vst.idx.add.f32.msk $0xffff, v2  }
0x69: {  	[tilespmem:s2], [sflag:$0x1] =	stream.linear.gather [hbm4b:s5+s2], $0x3F00, $0x38;
	[tilespmem:$0x9E00] =	vst v63  }
0x6a: {  	_ =	swait.ge [sflag:s14], $0x3F00  }
0x6b: {  	[sflag:s14] =	ssyncset.done $0x0  }
0x6c: {  	[sflag:s14] =	ssyncadd.s32 $0xFFFFC100  }
0x6d: {  	[tilespmem:s15], [sflag:$0x1] =	stream.linear.gather [hbm4b:s6+s2], $0x3F00, $0x38;
	[tilespmem:$0x9E00] =	vst v63  }
0x6e: {  	_ =	swait.ge [sflag:s14], $0x3F00  }
0x6f: {  	[sflag:s14] =	ssyncset.done $0x0  }
0x70: {  	s22 =	simm.s32 $0x3F40;
	[sflag:s14] =	ssyncadd.s32 $0xFFFFC100  }
0x71: {  	v3 =	vld [tilespmem:s22+$0x30]  }
0x72: {  	v4 =	vld [tilespmem:s22+$0xFFFFFFD0]  }
0x73: {  	v5 =	vld [tilespmem:s22+$0xFFFFFFE0]  }
0x74: {  	s21 =	simm.s32 $0x40;
	v6 =	vld [tilespmem:s22+$0xFFFFFFF0]  }
0x75: {  	v7 =	vld [tilespmem:s21+$0x30]  }
0x76: {  	v8 =	vld [tilespmem:s22+$0x0]  }
0x77: {  	v10 =	vld [tilespmem:s22+$0x10];
	v9 =	vtrunc.f32 v3  }
0x78: {  	v11 =	vld [tilespmem:s22+$0xFFFFFFC0];
	v9 =	vcvt.f32.s32 v9  }
0x79: {  	v52 =	vld [tilespmem:s21+$0xFFFFFFD0]  }
0x7a: {  	v15 =	vld [tilespmem:s21+$0xFFFFFFE0];
	v13 =	vtrunc.f32 v4;
	v9 =	vadd.s32 v1, v9  }
0x7b: {  	v55 =	vld [tilespmem:s21+$0x0];
	v3 =	vsub.f32 v7, v3;
	v53 =	vtrunc.f32 v5;
	v13 =	vcvt.f32.s32 v13  }
0x7c: {  	v12 =	vld [tilespmem:s22+$0x20];
	v19 =	vtrunc.f32 v8;
	v54 =	vcvt.f32.s32 v53  }
0x7d: {  	v14 =	vld [tilespmem:s21+$0xFFFFFFC0];
	v58 =	vcvt.f32.s32 v19;
	v3 =	vmul.f32 v3, v3;
	v13 =	vadd.s32 v1, v13  }
0x7e: {  	v16 =	vld [tilespmem:s21+$0xFFFFFFF0];
	v17 =	vtrunc.f32 v11;
	v4 =	vsub.f32 v52, v4;
	v7 =	vadd.s32 v1, v54  }
0x7f: {  	v5 =	vsub.f32 v15, v5;
	v61 =	vadd.s32 v1, v58;
	[tilespmem:v9+s16+$0x0] =	vst.idx.add.f32.msk $0xffff, v3;
	v3 =	vcvt.f32.s32 v17  }
0x80: {  	v57 =	vld [tilespmem:s21+$0x10];
	v8 =	vsub.f32 v55, v8;
	v4 =	vmul.f32 v4, v4  }
0x81: {  	v18 =	vld [tilespmem:s21+$0x20];
	v5 =	vmul.f32 v5, v5;
	v3 =	vadd.s32 v1, v3  }
0x82: {  	v56 =	vtrunc.f32 v6;
	v11 =	vsub.f32 v14, v11;
	v8 =	vmul.f32 v8, v8;
	[tilespmem:v13+s16+$0x0] =	vst.idx.add.f32.msk $0xffff, v4  }
0x83: {  	v17 =	vcvt.f32.s32 v56;
	[tilespmem:v7+s16+$0x0] =	vst.idx.add.f32.msk $0xffff, v5  }
0x84: {  	v11 =	vmul.f32 v11, v11;
	[tilespmem:v61+s16+$0x0] =	vst.idx.add.f32.msk $0xffff, v8  }
0x85: {  	v59 =	vtrunc.f32 v10;
	[tilespmem:v9+s17+$0x0] =	vst.idx.add.f32.msk $0xffff, v2;
	v4 =	vadd.s32 v1, v17  }
0x86: {  	v6 =	vsub.f32 v16, v6;
	v60 =	vcvt.f32.s32 v59;
	[tilespmem:v3+s16+$0x0] =	vst.idx.add.f32.msk $0xffff, v11  }
0x87: {  	[tilespmem:v3+s17+$0x0] =	vst.idx.add.f32.msk $0xffff, v2;
	v3 =	vtrunc.f32 v12  }
0x88: {  	v6 =	vmul.f32 v6, v6;
	v5 =	vadd.s32 v1, v60;
	[tilespmem:v13+s17+$0x0] =	vst.idx.add.f32.msk $0xffff, v2;
	v3 =	vcvt.f32.s32 v3  }
0x89: {  	v62 =	vsub.f32 v57, v10;
	[tilespmem:v7+s17+$0x0] =	vst.idx.add.f32.msk $0xffff, v2  }
0x8a: {  	[tilespmem:v4+s16+$0x0] =	vst.idx.add.f32.msk $0xffff, v6;
	v3 =	vadd.s32 v1, v3  }
0x8b: {  	v63 =	vmul.f32 v62, v62;
	[tilespmem:v4+s17+$0x0] =	vst.idx.add.f32.msk $0xffff, v2;
	v4 =	vsub.f32 v18, v12  }
0x8c: {  	[tilespmem:v61+s17+$0x0] =	vst.idx.add.f32.msk $0xffff, v2  }
0x8d: {  	[tilespmem:v5+s16+$0x0] =	vst.idx.add.f32.msk $0xffff, v63;
	v4 =	vmul.f32 v4, v4  }
0x8e: {  	[tilespmem:v5+s17+$0x0] =	vst.idx.add.f32.msk $0xffff, v2  }
0x8f: {  	s23 =	simm.s32 $0x3FC0;
	s22 =	simm.s32 $0x0;
	[tilespmem:v3+s16+$0x0] =	vst.idx.add.f32.msk $0xffff, v4  }
.LBB2_6:
0x90: {  	v4 =	vld [tilespmem:s23+$0x30]  }
0x91: {  	s22 =	sadd.s32 $0x8, s22;
	v5 =	vld [tilespmem:s23+$0xFFFFFFD0]  }
0x92: {  	p0 =	slt.u32 s22, $0x3E8;
	v6 =	vld [tilespmem:s23+$0xFFFFFFE0]  }
0x93: {  	s21 =	sadd.s32 $0x80, s21;
	v7 =	vld [tilespmem:s23+$0xFFFFFFF0]  }
0x94: {  	v8 =	vld [tilespmem:s21+$0x30]  }
0x95: {  	v9 =	vld [tilespmem:s23+$0x0];
	v10 =	vtrunc.f32 v4  }
0x96: {  	v11 =	vtrunc.f32 v5;
	v12 =	vld [tilespmem:s23+$0x10];
	v10 =	vcvt.f32.s32 v10  }
0x97: {  	v11 =	vcvt.f32.s32 v11;
	v13 =	vtrunc.f32 v6;
	v14 =	vld [tilespmem:s23+$0x20]  }
0x98: {  	v15 =	vld [tilespmem:s23+$0xFFFFFFC0];
	v13 =	vcvt.f32.s32 v13;
	v16 =	vtrunc.f32 v7;
	v10 =	vadd.s32 v1, v10  }
0x99: {  	v17 =	vld [tilespmem:s21+$0xFFFFFFC0];
	v11 =	vadd.s32 v1, v11;
	v16 =	vcvt.f32.s32 v16;
	v4 =	vsub.f32 v8, v4  }
0x9a: {  	v8 =	vld [tilespmem:s21+$0xFFFFFFD0];
	v13 =	vadd.s32 v1, v13;
	v18 =	vtrunc.f32 v9  }
0x9b: {  	v19 =	vld [tilespmem:s21+$0xFFFFFFE0];
	v16 =	vadd.s32 v1, v16;
	v20 =	vtrunc.f32 v12;
	v4 =	vmul.f32 v4, v4  }
0x9c: {  	v18 =	vcvt.f32.s32 v18;
	v21 =	vld [tilespmem:s21+$0xFFFFFFF0];
	v22 =	vtrunc.f32 v14  }
0x9d: {  	v20 =	vcvt.f32.s32 v20;
	v23 =	vtrunc.f32 v15;
	[tilespmem:v10+s16+$0x0] =	vst.idx.add.f32.msk $0xffff, v4  }
0x9e: {  	v4 =	vsub.f32 v17, v15;
	v15 =	vcvt.f32.s32 v23;
	v17 =	vcvt.f32.s32 v22;
	[tilespmem:v10+s17+$0x0] =	vst.idx.add.f32.msk $0xffff, v2  }
0x9f: {  	v10 =	vadd.s32 v1, v18;
	v18 =	vadd.s32 v1, v20;
	v5 =	vsub.f32 v8, v5;
	v8 =	vld [tilespmem:s21+$0x0]  }
0xa0: {  	v4 =	vmul.f32 v4, v4;
	v15 =	vadd.s32 v1, v15;
	v6 =	vsub.f32 v19, v6;
	v19 =	vld [tilespmem:s21+$0x10]  }
0xa1: {  	v17 =	vadd.s32 v1, v17;
	v5 =	vmul.f32 v5, v5;
	v7 =	vsub.f32 v21, v7;
	v20 =	vld [tilespmem:s21+$0x20]  }
0xa2: {  	v6 =	vmul.f32 v6, v6;
	[tilespmem:v3+s17+$0x0] =	vst.idx.add.f32.msk $0xffff, v2;
	v3 =	vmov v17  }
0xa3: {  	[tilespmem:v11+s16+$0x0] =	vst.idx.add.f32.msk $0xffff, v5;
	v5 =	vmul.f32 v7, v7  }
0xa4: {  	[tilespmem:v11+s17+$0x0] =	vst.idx.add.f32.msk $0xffff, v2;
	v7 =	vsub.f32 v8, v9  }
0xa5: {  	[tilespmem:v15+s16+$0x0] =	vst.idx.add.f32.msk $0xffff, v4;
	v4 =	vsub.f32 v19, v12  }
0xa6: {  	[tilespmem:v15+s17+$0x0] =	vst.idx.add.f32.msk $0xffff, v2;
	v7 =	vmul.f32 v7, v7;
	v8 =	vsub.f32 v20, v14  }
0xa7: {  	[tilespmem:v13+s16+$0x0] =	vst.idx.add.f32.msk $0xffff, v6;
	v4 =	vmul.f32 v4, v4  }
0xa8: {  	[tilespmem:v13+s17+$0x0] =	vst.idx.add.f32.msk $0xffff, v2;
	v6 =	vmul.f32 v8, v8  }
0xa9: {  	[tilespmem:v16+s16+$0x0] =	vst.idx.add.f32.msk $0xffff, v5  }
0xaa: {  	[tilespmem:v16+s17+$0x0] =	vst.idx.add.f32.msk $0xffff, v2  }
.Ltmp2:
0xab: {  	[tilespmem:v10+s16+$0x0] =	vst.idx.add.f32.msk $0xffff, v7;
	(pc) =	sbr.rel @p0 .LBB2_6-.Ltmp2, $4  }
0xac: {  	[tilespmem:v10+s17+$0x0] =	vst.idx.add.f32.msk $0xffff, v2  }
0xad: {  	[tilespmem:v18+s16+$0x0] =	vst.idx.add.f32.msk $0xffff, v4  }
0xae: {  	[tilespmem:v18+s17+$0x0] =	vst.idx.add.f32.msk $0xffff, v2  }
0xaf: {  	s23 =	sadd.s32 $0x80, s23;
	[tilespmem:v17+s16+$0x0] =	vst.idx.add.f32.msk $0xffff, v6  }
0xb0: {  	_ =	sdelay $0x3  }
0xb1: {  	[tilespmem:v3+s17+$0x0] =	vst.idx.add.f32.msk $0xffff, v2  }
0xb2: {  	[tilespmem:s2], [sflag:$0x1] =	stream.linear.gather [hbm4b:s7+s2], $0x3F00, $0x38;
	[tilespmem:$0x9E00] =	vst v63  }
0xb3: {  	_ =	swait.ge [sflag:s14], $0x3F00  }
0xb4: {  	[sflag:s14] =	ssyncset.done $0x0  }
0xb5: {  	[sflag:s14] =	ssyncadd.s32 $0xFFFFC100  }
0xb6: {  	[tilespmem:s15], [sflag:$0x1] =	stream.linear.gather [hbm4b:s8+s2], $0x3F00, $0x38;
	[tilespmem:$0x9E00] =	vst v63  }
0xb7: {  	_ =	swait.ge [sflag:s14], $0x3F00  }
0xb8: {  	[sflag:s14] =	ssyncset.done $0x0  }
0xb9: {  	s22 =	simm.s32 $0x3F40;
	[sflag:s14] =	ssyncadd.s32 $0xFFFFC100  }
0xba: {  	v3 =	vld [tilespmem:s22+$0x30]  }
0xbb: {  	v4 =	vld [tilespmem:s22+$0xFFFFFFD0]  }
0xbc: {  	v5 =	vld [tilespmem:s22+$0xFFFFFFE0]  }
0xbd: {  	s21 =	simm.s32 $0x40;
	v6 =	vld [tilespmem:s22+$0xFFFFFFF0]  }
0xbe: {  	v7 =	vld [tilespmem:s21+$0x30]  }
0xbf: {  	v8 =	vld [tilespmem:s22+$0x0]  }
0xc0: {  	v10 =	vld [tilespmem:s22+$0x10];
	v9 =	vtrunc.f32 v3  }
0xc1: {  	v11 =	vld [tilespmem:s22+$0xFFFFFFC0];
	v9 =	vcvt.f32.s32 v9  }
0xc2: {  	v52 =	vld [tilespmem:s21+$0xFFFFFFD0]  }
0xc3: {  	v15 =	vld [tilespmem:s21+$0xFFFFFFE0];
	v13 =	vtrunc.f32 v4;
	v9 =	vadd.s32 v1, v9  }
0xc4: {  	v55 =	vld [tilespmem:s21+$0x0];
	v3 =	vsub.f32 v7, v3;
	v53 =	vtrunc.f32 v5;
	v13 =	vcvt.f32.s32 v13  }
0xc5: {  	v12 =	vld [tilespmem:s22+$0x20];
	v19 =	vtrunc.f32 v8;
	v54 =	vcvt.f32.s32 v53  }
0xc6: {  	v14 =	vld [tilespmem:s21+$0xFFFFFFC0];
	v58 =	vcvt.f32.s32 v19;
	v3 =	vmul.f32 v3, v3;
	v13 =	vadd.s32 v1, v13  }
0xc7: {  	v16 =	vld [tilespmem:s21+$0xFFFFFFF0];
	v17 =	vtrunc.f32 v11;
	v4 =	vsub.f32 v52, v4;
	v7 =	vadd.s32 v1, v54  }
0xc8: {  	v5 =	vsub.f32 v15, v5;
	v61 =	vadd.s32 v1, v58;
	[tilespmem:v9+s16+$0x0] =	vst.idx.add.f32.msk $0xffff, v3;
	v3 =	vcvt.f32.s32 v17  }
0xc9: {  	v57 =	vld [tilespmem:s21+$0x10];
	v8 =	vsub.f32 v55, v8;
	v4 =	vmul.f32 v4, v4  }
0xca: {  	v18 =	vld [tilespmem:s21+$0x20];
	v5 =	vmul.f32 v5, v5;
	v3 =	vadd.s32 v1, v3  }
0xcb: {  	v56 =	vtrunc.f32 v6;
	v11 =	vsub.f32 v14, v11;
	v8 =	vmul.f32 v8, v8;
	[tilespmem:v13+s16+$0x0] =	vst.idx.add.f32.msk $0xffff, v4  }
0xcc: {  	v17 =	vcvt.f32.s32 v56;
	[tilespmem:v7+s16+$0x0] =	vst.idx.add.f32.msk $0xffff, v5  }
0xcd: {  	v11 =	vmul.f32 v11, v11;
	[tilespmem:v61+s16+$0x0] =	vst.idx.add.f32.msk $0xffff, v8  }
0xce: {  	v59 =	vtrunc.f32 v10;
	[tilespmem:v9+s17+$0x0] =	vst.idx.add.f32.msk $0xffff, v2;
	v4 =	vadd.s32 v1, v17  }
0xcf: {  	v6 =	vsub.f32 v16, v6;
	v60 =	vcvt.f32.s32 v59;
	[tilespmem:v3+s16+$0x0] =	vst.idx.add.f32.msk $0xffff, v11  }
0xd0: {  	[tilespmem:v3+s17+$0x0] =	vst.idx.add.f32.msk $0xffff, v2;
	v3 =	vtrunc.f32 v12  }
0xd1: {  	v6 =	vmul.f32 v6, v6;
	v5 =	vadd.s32 v1, v60;
	[tilespmem:v13+s17+$0x0] =	vst.idx.add.f32.msk $0xffff, v2;
	v3 =	vcvt.f32.s32 v3  }
0xd2: {  	v62 =	vsub.f32 v57, v10;
	[tilespmem:v7+s17+$0x0] =	vst.idx.add.f32.msk $0xffff, v2  }
0xd3: {  	[tilespmem:v4+s16+$0x0] =	vst.idx.add.f32.msk $0xffff, v6;
	v3 =	vadd.s32 v1, v3  }
0xd4: {  	v63 =	vmul.f32 v62, v62;
	[tilespmem:v4+s17+$0x0] =	vst.idx.add.f32.msk $0xffff, v2;
	v4 =	vsub.f32 v18, v12  }
0xd5: {  	[tilespmem:v61+s17+$0x0] =	vst.idx.add.f32.msk $0xffff, v2  }
0xd6: {  	[tilespmem:v5+s16+$0x0] =	vst.idx.add.f32.msk $0xffff, v63;
	v4 =	vmul.f32 v4, v4  }
0xd7: {  	[tilespmem:v5+s17+$0x0] =	vst.idx.add.f32.msk $0xffff, v2  }
0xd8: {  	s23 =	simm.s32 $0x3FC0;
	s22 =	simm.s32 $0x0;
	[tilespmem:v3+s16+$0x0] =	vst.idx.add.f32.msk $0xffff, v4  }
.LBB2_8:
0xd9: {  	v4 =	vld [tilespmem:s23+$0x30]  }
0xda: {  	s22 =	sadd.s32 $0x8, s22;
	v5 =	vld [tilespmem:s23+$0xFFFFFFD0]  }
0xdb: {  	p0 =	slt.u32 s22, $0x3E8;
	v6 =	vld [tilespmem:s23+$0xFFFFFFE0]  }
0xdc: {  	s21 =	sadd.s32 $0x80, s21;
	v7 =	vld [tilespmem:s23+$0xFFFFFFF0]  }
0xdd: {  	v8 =	vld [tilespmem:s21+$0x30]  }
0xde: {  	v9 =	vld [tilespmem:s23+$0x0];
	v10 =	vtrunc.f32 v4  }
0xdf: {  	v11 =	vtrunc.f32 v5;
	v12 =	vld [tilespmem:s23+$0x10];
	v10 =	vcvt.f32.s32 v10  }
0xe0: {  	v11 =	vcvt.f32.s32 v11;
	v13 =	vtrunc.f32 v6;
	v14 =	vld [tilespmem:s23+$0x20]  }
0xe1: {  	v15 =	vld [tilespmem:s23+$0xFFFFFFC0];
	v13 =	vcvt.f32.s32 v13;
	v16 =	vtrunc.f32 v7;
	v10 =	vadd.s32 v1, v10  }
0xe2: {  	v17 =	vld [tilespmem:s21+$0xFFFFFFC0];
	v11 =	vadd.s32 v1, v11;
	v16 =	vcvt.f32.s32 v16;
	v4 =	vsub.f32 v8, v4  }
0xe3: {  	v8 =	vld [tilespmem:s21+$0xFFFFFFD0];
	v13 =	vadd.s32 v1, v13;
	v18 =	vtrunc.f32 v9  }
0xe4: {  	v19 =	vld [tilespmem:s21+$0xFFFFFFE0];
	v16 =	vadd.s32 v1, v16;
	v20 =	vtrunc.f32 v12;
	v4 =	vmul.f32 v4, v4  }
0xe5: {  	v18 =	vcvt.f32.s32 v18;
	v21 =	vld [tilespmem:s21+$0xFFFFFFF0];
	v22 =	vtrunc.f32 v14  }
0xe6: {  	v20 =	vcvt.f32.s32 v20;
	v23 =	vtrunc.f32 v15;
	[tilespmem:v10+s16+$0x0] =	vst.idx.add.f32.msk $0xffff, v4  }
0xe7: {  	v4 =	vsub.f32 v17, v15;
	v15 =	vcvt.f32.s32 v23;
	v17 =	vcvt.f32.s32 v22;
	[tilespmem:v10+s17+$0x0] =	vst.idx.add.f32.msk $0xffff, v2  }
0xe8: {  	v10 =	vadd.s32 v1, v18;
	v18 =	vadd.s32 v1, v20;
	v5 =	vsub.f32 v8, v5;
	v8 =	vld [tilespmem:s21+$0x0]  }
0xe9: {  	v4 =	vmul.f32 v4, v4;
	v15 =	vadd.s32 v1, v15;
	v6 =	vsub.f32 v19, v6;
	v19 =	vld [tilespmem:s21+$0x10]  }
0xea: {  	v17 =	vadd.s32 v1, v17;
	v5 =	vmul.f32 v5, v5;
	v7 =	vsub.f32 v21, v7;
	v20 =	vld [tilespmem:s21+$0x20]  }
0xeb: {  	v6 =	vmul.f32 v6, v6;
	[tilespmem:v3+s17+$0x0] =	vst.idx.add.f32.msk $0xffff, v2;
	v3 =	vmov v17  }
0xec: {  	[tilespmem:v11+s16+$0x0] =	vst.idx.add.f32.msk $0xffff, v5;
	v5 =	vmul.f32 v7, v7  }
0xed: {  	[tilespmem:v11+s17+$0x0] =	vst.idx.add.f32.msk $0xffff, v2;
	v7 =	vsub.f32 v8, v9  }
0xee: {  	[tilespmem:v15+s16+$0x0] =	vst.idx.add.f32.msk $0xffff, v4;
	v4 =	vsub.f32 v19, v12  }
0xef: {  	[tilespmem:v15+s17+$0x0] =	vst.idx.add.f32.msk $0xffff, v2;
	v7 =	vmul.f32 v7, v7;
	v8 =	vsub.f32 v20, v14  }
0xf0: {  	[tilespmem:v13+s16+$0x0] =	vst.idx.add.f32.msk $0xffff, v6;
	v4 =	vmul.f32 v4, v4  }
0xf1: {  	[tilespmem:v13+s17+$0x0] =	vst.idx.add.f32.msk $0xffff, v2;
	v6 =	vmul.f32 v8, v8  }
0xf2: {  	[tilespmem:v16+s16+$0x0] =	vst.idx.add.f32.msk $0xffff, v5  }
0xf3: {  	[tilespmem:v16+s17+$0x0] =	vst.idx.add.f32.msk $0xffff, v2  }
.Ltmp3:
0xf4: {  	[tilespmem:v10+s16+$0x0] =	vst.idx.add.f32.msk $0xffff, v7;
	(pc) =	sbr.rel @p0 .LBB2_8-.Ltmp3, $4  }
0xf5: {  	[tilespmem:v10+s17+$0x0] =	vst.idx.add.f32.msk $0xffff, v2  }
0xf6: {  	[tilespmem:v18+s16+$0x0] =	vst.idx.add.f32.msk $0xffff, v4  }
0xf7: {  	[tilespmem:v18+s17+$0x0] =	vst.idx.add.f32.msk $0xffff, v2  }
0xf8: {  	s23 =	sadd.s32 $0x80, s23;
	[tilespmem:v17+s16+$0x0] =	vst.idx.add.f32.msk $0xffff, v6  }
0xf9: {  	_ =	sdelay $0x3  }
0xfa: {  	[tilespmem:v3+s17+$0x0] =	vst.idx.add.f32.msk $0xffff, v2  }
0xfb: {  	[tilespmem:s2], [sflag:$0x1] =	stream.linear.gather [hbm4b:s9+s2], $0x3F00, $0x38;
	[tilespmem:$0x9E00] =	vst v63  }
0xfc: {  	_ =	swait.ge [sflag:s14], $0x3F00  }
0xfd: {  	[sflag:s14] =	ssyncset.done $0x0  }
0xfe: {  	[sflag:s14] =	ssyncadd.s32 $0xFFFFC100  }
0xff: {  	[tilespmem:s15], [sflag:$0x1] =	stream.linear.gather [hbm4b:s10+s2], $0x3F00, $0x38;
	[tilespmem:$0x9E00] =	vst v63  }
0x100: {  	_ =	swait.ge [sflag:s14], $0x3F00  }
0x101: {  	[sflag:s14] =	ssyncset.done $0x0  }
0x102: {  	s22 =	simm.s32 $0x3F40;
	[sflag:s14] =	ssyncadd.s32 $0xFFFFC100  }
0x103: {  	v3 =	vld [tilespmem:s22+$0x30]  }
0x104: {  	v4 =	vld [tilespmem:s22+$0xFFFFFFD0]  }
0x105: {  	v5 =	vld [tilespmem:s22+$0xFFFFFFE0]  }
0x106: {  	s21 =	simm.s32 $0x40;
	v6 =	vld [tilespmem:s22+$0xFFFFFFF0]  }
0x107: {  	v7 =	vld [tilespmem:s21+$0x30]  }
0x108: {  	v8 =	vld [tilespmem:s22+$0x0]  }
0x109: {  	v10 =	vld [tilespmem:s22+$0x10];
	v9 =	vtrunc.f32 v3  }
0x10a: {  	v11 =	vld [tilespmem:s22+$0xFFFFFFC0];
	v9 =	vcvt.f32.s32 v9  }
0x10b: {  	v52 =	vld [tilespmem:s21+$0xFFFFFFD0]  }
0x10c: {  	v15 =	vld [tilespmem:s21+$0xFFFFFFE0];
	v13 =	vtrunc.f32 v4;
	v9 =	vadd.s32 v1, v9  }
0x10d: {  	v55 =	vld [tilespmem:s21+$0x0];
	v3 =	vsub.f32 v7, v3;
	v53 =	vtrunc.f32 v5;
	v13 =	vcvt.f32.s32 v13  }
0x10e: {  	v12 =	vld [tilespmem:s22+$0x20];
	v19 =	vtrunc.f32 v8;
	v54 =	vcvt.f32.s32 v53  }
0x10f: {  	v14 =	vld [tilespmem:s21+$0xFFFFFFC0];
	v58 =	vcvt.f32.s32 v19;
	v3 =	vmul.f32 v3, v3;
	v13 =	vadd.s32 v1, v13  }
0x110: {  	v16 =	vld [tilespmem:s21+$0xFFFFFFF0];
	v17 =	vtrunc.f32 v11;
	v4 =	vsub.f32 v52, v4;
	v7 =	vadd.s32 v1, v54  }
0x111: {  	v5 =	vsub.f32 v15, v5;
	v61 =	vadd.s32 v1, v58;
	[tilespmem:v9+s16+$0x0] =	vst.idx.add.f32.msk $0xffff, v3;
	v3 =	vcvt.f32.s32 v17  }
0x112: {  	v57 =	vld [tilespmem:s21+$0x10];
	v8 =	vsub.f32 v55, v8;
	v4 =	vmul.f32 v4, v4  }
0x113: {  	v18 =	vld [tilespmem:s21+$0x20];
	v5 =	vmul.f32 v5, v5;
	v3 =	vadd.s32 v1, v3  }
0x114: {  	v56 =	vtrunc.f32 v6;
	v11 =	vsub.f32 v14, v11;
	v8 =	vmul.f32 v8, v8;
	[tilespmem:v13+s16+$0x0] =	vst.idx.add.f32.msk $0xffff, v4  }
0x115: {  	v17 =	vcvt.f32.s32 v56;
	[tilespmem:v7+s16+$0x0] =	vst.idx.add.f32.msk $0xffff, v5  }
0x116: {  	v11 =	vmul.f32 v11, v11;
	[tilespmem:v61+s16+$0x0] =	vst.idx.add.f32.msk $0xffff, v8  }
0x117: {  	v59 =	vtrunc.f32 v10;
	[tilespmem:v9+s17+$0x0] =	vst.idx.add.f32.msk $0xffff, v2;
	v4 =	vadd.s32 v1, v17  }
0x118: {  	v6 =	vsub.f32 v16, v6;
	v60 =	vcvt.f32.s32 v59;
	[tilespmem:v3+s16+$0x0] =	vst.idx.add.f32.msk $0xffff, v11  }
0x119: {  	[tilespmem:v3+s17+$0x0] =	vst.idx.add.f32.msk $0xffff, v2;
	v3 =	vtrunc.f32 v12  }
0x11a: {  	v6 =	vmul.f32 v6, v6;
	v5 =	vadd.s32 v1, v60;
	[tilespmem:v13+s17+$0x0] =	vst.idx.add.f32.msk $0xffff, v2;
	v3 =	vcvt.f32.s32 v3  }
0x11b: {  	v62 =	vsub.f32 v57, v10;
	[tilespmem:v7+s17+$0x0] =	vst.idx.add.f32.msk $0xffff, v2  }
0x11c: {  	[tilespmem:v4+s16+$0x0] =	vst.idx.add.f32.msk $0xffff, v6;
	v3 =	vadd.s32 v1, v3  }
0x11d: {  	v63 =	vmul.f32 v62, v62;
	[tilespmem:v4+s17+$0x0] =	vst.idx.add.f32.msk $0xffff, v2;
	v4 =	vsub.f32 v18, v12  }
0x11e: {  	[tilespmem:v61+s17+$0x0] =	vst.idx.add.f32.msk $0xffff, v2  }
0x11f: {  	[tilespmem:v5+s16+$0x0] =	vst.idx.add.f32.msk $0xffff, v63;
	v4 =	vmul.f32 v4, v4  }
0x120: {  	[tilespmem:v5+s17+$0x0] =	vst.idx.add.f32.msk $0xffff, v2  }
0x121: {  	s23 =	simm.s32 $0x3FC0;
	s22 =	simm.s32 $0x0;
	[tilespmem:v3+s16+$0x0] =	vst.idx.add.f32.msk $0xffff, v4  }
.LBB2_10:
0x122: {  	v4 =	vld [tilespmem:s23+$0x30]  }
0x123: {  	s22 =	sadd.s32 $0x8, s22;
	v5 =	vld [tilespmem:s23+$0xFFFFFFD0]  }
0x124: {  	p0 =	slt.u32 s22, $0x3E8;
	v6 =	vld [tilespmem:s23+$0xFFFFFFE0]  }
0x125: {  	s21 =	sadd.s32 $0x80, s21;
	v7 =	vld [tilespmem:s23+$0xFFFFFFF0]  }
0x126: {  	v8 =	vld [tilespmem:s21+$0x30]  }
0x127: {  	v9 =	vld [tilespmem:s23+$0x0];
	v10 =	vtrunc.f32 v4  }
0x128: {  	v11 =	vtrunc.f32 v5;
	v12 =	vld [tilespmem:s23+$0x10];
	v10 =	vcvt.f32.s32 v10  }
0x129: {  	v11 =	vcvt.f32.s32 v11;
	v13 =	vtrunc.f32 v6;
	v14 =	vld [tilespmem:s23+$0x20]  }
0x12a: {  	v15 =	vld [tilespmem:s23+$0xFFFFFFC0];
	v13 =	vcvt.f32.s32 v13;
	v16 =	vtrunc.f32 v7;
	v10 =	vadd.s32 v1, v10  }
0x12b: {  	v17 =	vld [tilespmem:s21+$0xFFFFFFC0];
	v11 =	vadd.s32 v1, v11;
	v16 =	vcvt.f32.s32 v16;
	v4 =	vsub.f32 v8, v4  }
0x12c: {  	v8 =	vld [tilespmem:s21+$0xFFFFFFD0];
	v13 =	vadd.s32 v1, v13;
	v18 =	vtrunc.f32 v9  }
0x12d: {  	v19 =	vld [tilespmem:s21+$0xFFFFFFE0];
	v16 =	vadd.s32 v1, v16;
	v20 =	vtrunc.f32 v12;
	v4 =	vmul.f32 v4, v4  }
0x12e: {  	v18 =	vcvt.f32.s32 v18;
	v21 =	vld [tilespmem:s21+$0xFFFFFFF0];
	v22 =	vtrunc.f32 v14  }
0x12f: {  	v20 =	vcvt.f32.s32 v20;
	v23 =	vtrunc.f32 v15;
	[tilespmem:v10+s16+$0x0] =	vst.idx.add.f32.msk $0xffff, v4  }
0x130: {  	v4 =	vsub.f32 v17, v15;
	v15 =	vcvt.f32.s32 v23;
	v17 =	vcvt.f32.s32 v22;
	[tilespmem:v10+s17+$0x0] =	vst.idx.add.f32.msk $0xffff, v2  }
0x131: {  	v10 =	vadd.s32 v1, v18;
	v18 =	vadd.s32 v1, v20;
	v5 =	vsub.f32 v8, v5;
	v8 =	vld [tilespmem:s21+$0x0]  }
0x132: {  	v4 =	vmul.f32 v4, v4;
	v15 =	vadd.s32 v1, v15;
	v6 =	vsub.f32 v19, v6;
	v19 =	vld [tilespmem:s21+$0x10]  }
0x133: {  	v17 =	vadd.s32 v1, v17;
	v5 =	vmul.f32 v5, v5;
	v7 =	vsub.f32 v21, v7;
	v20 =	vld [tilespmem:s21+$0x20]  }
0x134: {  	v6 =	vmul.f32 v6, v6;
	[tilespmem:v3+s17+$0x0] =	vst.idx.add.f32.msk $0xffff, v2;
	v3 =	vmov v17  }
0x135: {  	[tilespmem:v11+s16+$0x0] =	vst.idx.add.f32.msk $0xffff, v5;
	v5 =	vmul.f32 v7, v7  }
0x136: {  	[tilespmem:v11+s17+$0x0] =	vst.idx.add.f32.msk $0xffff, v2;
	v7 =	vsub.f32 v8, v9  }
0x137: {  	[tilespmem:v15+s16+$0x0] =	vst.idx.add.f32.msk $0xffff, v4;
	v4 =	vsub.f32 v19, v12  }
0x138: {  	[tilespmem:v15+s17+$0x0] =	vst.idx.add.f32.msk $0xffff, v2;
	v7 =	vmul.f32 v7, v7;
	v8 =	vsub.f32 v20, v14  }
0x139: {  	[tilespmem:v13+s16+$0x0] =	vst.idx.add.f32.msk $0xffff, v6;
	v4 =	vmul.f32 v4, v4  }
0x13a: {  	[tilespmem:v13+s17+$0x0] =	vst.idx.add.f32.msk $0xffff, v2;
	v6 =	vmul.f32 v8, v8  }
0x13b: {  	[tilespmem:v16+s16+$0x0] =	vst.idx.add.f32.msk $0xffff, v5  }
0x13c: {  	[tilespmem:v16+s17+$0x0] =	vst.idx.add.f32.msk $0xffff, v2  }
.Ltmp4:
0x13d: {  	[tilespmem:v10+s16+$0x0] =	vst.idx.add.f32.msk $0xffff, v7;
	(pc) =	sbr.rel @p0 .LBB2_10-.Ltmp4, $4  }
0x13e: {  	[tilespmem:v10+s17+$0x0] =	vst.idx.add.f32.msk $0xffff, v2  }
0x13f: {  	[tilespmem:v18+s16+$0x0] =	vst.idx.add.f32.msk $0xffff, v4  }
0x140: {  	[tilespmem:v18+s17+$0x0] =	vst.idx.add.f32.msk $0xffff, v2  }
0x141: {  	s23 =	sadd.s32 $0x80, s23;
	[tilespmem:v17+s16+$0x0] =	vst.idx.add.f32.msk $0xffff, v6  }
0x142: {  	_ =	sdelay $0x3  }
0x143: {  	[tilespmem:v3+s17+$0x0] =	vst.idx.add.f32.msk $0xffff, v2  }
0x144: {  	[hbm4b:s11+s18] =	stream.strided.scatter [tilespmem:s16], [sflag:$0x1], $0x1000, s19, s18, $0x38;
	[tilespmem:$0x9E00] =	vst v63  }
0x145: {  	s20 =	sadd.s32 $0x1, s20;
	_ =	swait.ge [sflag:s14], $0x1000  }
0x146: {  	p0 =	sne.s32 s20, s13;
	[sflag:s14] =	ssyncset.done $0x0  }
.Ltmp5:
0x147: {  	[sflag:s14] =	ssyncadd.s32 $0xFFFFF000;
	(pc) =	sbr.rel @p0 .LBB2_1-.Ltmp5, $4  }
0x148: {  	[hbm4b:s12+s18] =	stream.strided.scatter [tilespmem:s17], [sflag:$0x1], $0x1000, s19, s18, $0x38;
	[tilespmem:$0x9E00] =	vst v63  }
0x149: {  	_ =	swait.ge [sflag:s14], $0x1000  }
0x14a: {  	[sflag:s14] =	ssyncset.done $0x0  }
0x14b: {  	[sflag:s14] =	ssyncadd.s32 $0xFFFFF000  }
0x14c: {  	_ =	sfence.sel $0x180000  }
0x14d: {  	[bflag:$0x0] =	sbarrier.arrive $0xFFFF  }
0x14e: {  	p0 =	sne.s32 s1, $0x0;
	_ =	strace $0x90000047  }
0x14f: {  	s0 =	sadd.s32 @!p0 $0x100000, s0;
	[bflag:$0x2] =	sbarrier.arrive $0xFFFF  }
0x150: {  	[sflag:s0] =	ssyncadd.tile.s32 @!p0 $0x1;
	_ =	shalt  }
.Lfunc_end2:
_tile_overlayer_lowered:
.L_overlay_start_2:
0x151: {  	(tag) =	ssettag $0x2  }
0x152: {  	s0 =	rddreg [dreg:$0x0];
	s2 =	stileid.u32  }
0x153: {  	s1 =	rddreg [dreg:$0x1];
	p0 =	sne.s32 s2, $0x0  }
0x154: {  	s3 =	rddreg [dreg:$0x2];
	[bflag:$0x3] =	sbarrier.arrive $0xFFFF;
	s2 =	simm.s32 @!p0 $0x1C01  }
0x155: {  	[timem:s3], [sflag:s2] =	dma.local @!p0 [hbm:s0], s1  }
0x156: {  	s0 =	simm.s32 @!p0 $0x1  }
0x157: {  	_ =	swait.ge @!p0 [sflag:s0], s1  }
0x158: {  	s1 =	ssub.s32 @!p0 $0x0, s1;
	[sflag:s0] =	ssyncset.done @!p0 $0x0  }
0x159: {  	[sflag:s0] =	ssyncadd.s32 @!p0 s1  }
0x15a: {  	[bflag:$0x3] =	sbarrier.arrive $0xFFFF  }
0x15b: {  	_ =	shalt  }

</sc_bundles>
